<compile_context>
chip_gen: v7x
topology: tpu7x:2x2x1
jax: 0.10.2.dev20260603
libtpu: 0.0.44.dev20260713+nightly
codegen_flags: <defaults>
</compile_context>

<pallas_src>
import functools

import jax
import jax.numpy as jnp
import numpy as np
from jax import lax
from jax.experimental import pallas as pl
from jax.experimental.pallas import tpu as pltpu
from jax.experimental.pallas import tpu_sc as plsc

NUM_EMB = 100000
HIDDEN = 128
PROJ_W = 32
OUT_W = 512
LANES = 16

NC, NS = 2, 16
NW = NC * NS

CHUNK = 32
DEPTH = 4

_GATHER_DN = lax.GatherDimensionNumbers(
    offset_dims=(), collapsed_slice_dims=(0,), start_index_map=(0,))


def _vperm(vec, idx):
    return lax.gather(vec, idx[:, None], _GATHER_DN, (1,),
                      mode=lax.GatherScatterMode.PROMISE_IN_BOUNDS)


def _sc_kernel(num_tokens):
    assert num_tokens % (NW * CHUNK) == 0
    per_w = num_tokens // NW
    n_chunks = per_w // CHUNK
    assert n_chunks % DEPTH == 0
    mesh = plsc.VectorSubcoreMesh(core_axis_name="c", subcore_axis_name="s")

    @functools.partial(
        pl.kernel,
        out_type=jax.ShapeDtypeStruct((num_tokens, OUT_W), jnp.float32),
        mesh=mesh,
        compiler_params=pltpu.CompilerParams(
            use_tc_tiling_on_sc=False, needs_layout_passes=False),
        scratch_types=[
            pltpu.VMEM((n_chunks, CHUNK), jnp.int32),
            [pltpu.VMEM((CHUNK, HIDDEN), jnp.float32) for _ in range(DEPTH)],
            [pltpu.VMEM((CHUNK, PROJ_W), jnp.float32) for _ in range(DEPTH)],
            [pltpu.VMEM((CHUNK, OUT_W), jnp.float32) for _ in range(DEPTH)],
            pltpu.VMEM_SHARED((NS, 2, CHUNK, OUT_W), jnp.float32),
            [pltpu.SemaphoreType.DMA for _ in range(DEPTH)],
            [pltpu.SemaphoreType.DMA for _ in range(DEPTH)],
            [pltpu.SemaphoreType.DMA for _ in range(DEPTH)],
        ],
    )
    def kern(ids_hbm, emb_hbm, proj_hbm, out_hbm,
             ids_v, emb_v, proj_v, out_v, out_s, sem_e, sem_p, sem_o):
        sid = lax.axis_index("s")
        wid = lax.axis_index("s") * NC + lax.axis_index("c")
        base = wid * per_w
        pltpu.sync_copy(ids_hbm.at[wid], ids_v)

        quarter = lax.shift_right_logical(lax.iota(jnp.int32, 16), 2)

        def fire_gather(g, b):
            pltpu.async_copy(emb_hbm.at[ids_v.at[g]], emb_v[b], sem_e[b])
            pltpu.async_copy(proj_hbm.at[ids_v.at[g]], proj_v[b], sem_p[b])

        def wait_gather(g, b):
            pltpu.make_async_copy(
                emb_hbm.at[ids_v.at[g]], emb_v[b], sem_e[b]).wait()
            pltpu.make_async_copy(
                proj_hbm.at[ids_v.at[g]], proj_v[b], sem_p[b]).wait()

        def fire_store(g, b):
            pltpu.async_copy(out_v[b], out_s.at[sid, b % 2], sem_p[b])
            pltpu.make_async_copy(out_v[b], out_s.at[sid, b % 2], sem_p[b]).wait()
            pltpu.async_copy(
                out_s.at[sid, b % 2], out_hbm.at[pl.ds(base + g * CHUNK, CHUNK)],
                sem_o[b])

        def wait_store(g, b):
            pltpu.make_async_copy(
                out_s.at[sid, b % 2], out_hbm.at[pl.ds(base + g * CHUNK, CHUNK)],
                sem_o[b]).wait()

        def compute(b):
            ev, pv, ov = emb_v[b], proj_v[b], out_v[b]

            @plsc.parallel_loop(0, CHUNK, unroll=4)
            def _(t):
                p0 = pv[t, pl.ds(0, 16)]
                p1 = pv[t, pl.ds(16, 16)]
                for v in range(HIDDEN // LANES):
                    evec = ev[t, pl.ds(LANES * v, LANES)]
                    for r in range(4):
                        j = 4 * v + r
                        e = _vperm(evec, quarter + 4 * r)
                        p = p0 if j % 2 == 0 else p1
                        ov[t, pl.ds(LANES * j, LANES)] = e * p

        def ring_body(i, _):
            for b in range(DEPTH):
                g = DEPTH * i + b

                @pl.when(i > 0)
                def _():
                    wait_store(g - DEPTH, b)

                fire_store(g, b)
            return 0

        lax.fori_loop(0, n_chunks // DEPTH, ring_body, 0)
        for b in range(DEPTH):
            wait_store(n_chunks - DEPTH + b, b)

    return kern


def kernel(input_ids, emb_table, proj_table):
    bs, l = input_ids.shape
    num_tokens = bs * l
    ids = input_ids.reshape(-1).astype(jnp.int32)
    per_w = num_tokens // NW
    ids3 = ids.reshape(NW, per_w // CHUNK, CHUNK)
    out = _sc_kernel(num_tokens)(ids3, emb_table, proj_table)
    return out.reshape(bs, l, OUT_W)

# --- scband reference (transcript-rebuilt; emitter-appended) ---
"""Pipeline reference for scband-rat-embedding-46548855554186 (READ-ONLY COPY).

The authoritative reference and input builder live on the scoring server;
editing this copy changes nothing except your own understanding.
"""

import jax, jax.numpy as jnp
import numpy as np

NUM_EMB = 100000
HIDDEN = 128
RES_CH = 4
RES_HEADS = 8
HEAD_SIZE = HIDDEN // RES_HEADS
RES_SIZE = HIDDEN * RES_CH


def setup_inputs(seed: int = 0) -> dict:
    key = jax.random.key(seed)
    k1, k2, k3 = jax.random.split(key, 3)
    input_ids = jax.random.randint(k1, (4096, 20), 0, NUM_EMB, dtype=jnp.int64 if jax.config.jax_enable_x64 else jnp.int32)
    emb_table = jax.random.normal(k2, (NUM_EMB, HIDDEN), dtype=jnp.float32) * 0.02
    proj_table = jax.random.normal(k3, (NUM_EMB, RES_HEADS * RES_CH), dtype=jnp.float32) * 0.02
    return {"input_ids": input_ids, "emb_table": emb_table, "proj_table": proj_table}


def reference(input_ids, emb_table, proj_table):
    bs, l = input_ids.shape
    out = jnp.take(emb_table, input_ids, axis=0)
    proj = jnp.take(proj_table, input_ids, axis=0)
    out = out.reshape(bs, l, HEAD_SIZE, RES_HEADS, 1)
    proj = proj.reshape(bs, l, 1, RES_HEADS, RES_CH)
    hidden_states = out * proj
    hidden_states = hidden_states.reshape(bs, l, RES_SIZE)
    return hidden_states

if __name__ == "__main__":
    import jax
    _d = setup_inputs()
    print(jax.jit(kernel)(*tuple(_d.values())))

</pallas_src>

<mosaic_0001>
#map = affine_map<(d0, d1) -> (0, 0, 0)>
#map1 = affine_map<(d0, d1) -> (0, 0)>
module attributes {stable_mosaic.version = 14 : i64} {
  func.func @kern(%arg0: i32, %arg1: i32, %arg2: memref<32x80x32xi32, #tpu.memory_space<hbm>>, %arg3: memref<100000x128xf32, #tpu.memory_space<hbm>>, %arg4: memref<100000x32xf32, #tpu.memory_space<hbm>>, %arg5: memref<81920x512xf32, #tpu.memory_space<hbm>>, %arg6: memref<80x32xi32, #tpu.memory_space<vmem>>, %arg7: memref<32x128xf32, #tpu.memory_space<vmem>>, %arg8: memref<32x128xf32, #tpu.memory_space<vmem>>, %arg9: memref<32x128xf32, #tpu.memory_space<vmem>>, %arg10: memref<32x128xf32, #tpu.memory_space<vmem>>, %arg11: memref<32x32xf32, #tpu.memory_space<vmem>>, %arg12: memref<32x32xf32, #tpu.memory_space<vmem>>, %arg13: memref<32x32xf32, #tpu.memory_space<vmem>>, %arg14: memref<32x32xf32, #tpu.memory_space<vmem>>, %arg15: memref<32x512xf32, #tpu.memory_space<vmem>>, %arg16: memref<32x512xf32, #tpu.memory_space<vmem>>, %arg17: memref<32x512xf32, #tpu.memory_space<vmem>>, %arg18: memref<32x512xf32, #tpu.memory_space<vmem>>, %arg19: memref<16x2x32x512xf32, #tpu.memory_space<vmem_shared>>, %arg20: memref<!tpu.dma_semaphore, #tpu.memory_space<semaphore_mem>>, %arg21: memref<!tpu.dma_semaphore, #tpu.memory_space<semaphore_mem>>, %arg22: memref<!tpu.dma_semaphore, #tpu.memory_space<semaphore_mem>>, %arg23: memref<!tpu.dma_semaphore, #tpu.memory_space<semaphore_mem>>, %arg24: memref<!tpu.dma_semaphore, #tpu.memory_space<semaphore_mem>>, %arg25: memref<!tpu.dma_semaphore, #tpu.memory_space<semaphore_mem>>, %arg26: memref<!tpu.dma_semaphore, #tpu.memory_space<semaphore_mem>>, %arg27: memref<!tpu.dma_semaphore, #tpu.memory_space<semaphore_mem>>, %arg28: memref<!tpu.dma_semaphore, #tpu.memory_space<semaphore_mem>>, %arg29: memref<!tpu.dma_semaphore, #tpu.memory_space<semaphore_mem>>, %arg30: memref<!tpu.dma_semaphore, #tpu.memory_space<semaphore_mem>>, %arg31: memref<!tpu.dma_semaphore, #tpu.memory_space<semaphore_mem>>) attributes {dimension_semantics = [#tpu.dimension_semantics<core_parallel>, #tpu.dimension_semantics<subcore_parallel>], iteration_bounds = array<i64: 2, 16>, scalar_prefetch = 0 : i64, scratch_operands = 26 : i64, tpu.core_type = #tpu.core_type<sc_vector_subcore>, window_params = [{transform_indices = #map}, {transform_indices = #map1}, {transform_indices = #map1}, {transform_indices = #map1}]} {
    %mul3A = arith.constant 2 : i32
    %mul3A_0 = arith.muli %arg1, %mul3A : i32
    %add3A = arith.addi %mul3A_0, %arg0 : i32
    %mul3A_1 = arith.constant 2560 : i32
    %mul3A_2 = arith.muli %add3A, %mul3A_1 : i32
    "tpu.region"() ({
      %run_scoped3A = tpu.sem_alloc : memref<!tpu.dma_semaphore, #tpu.memory_space<semaphore_mem>>
      %dma_start3A = arith.constant 0 : i32
      %dma_start3A_46 = arith.constant 0 : i32
      %dma_start3A_47 = tpu.memref_slice %arg2[%add3A, %dma_start3A, %dma_start3A_46] : memref<32x80x32xi32, #tpu.memory_space<hbm>> -> memref<1x80x32xi32, #tpu.memory_space<hbm>>
      %dma_start3A_48 = tpu.memref_squeeze %dma_start3A_47 : memref<1x80x32xi32, #tpu.memory_space<hbm>> -> memref<80x32xi32, #tpu.memory_space<hbm>>
      %dma_start3A_49 = arith.constant 0 : i32
      %dma_start3A_50 = arith.constant 0 : i32
      %dma_start3A_51 = tpu.memref_slice %arg2[%add3A, %dma_start3A_49, %dma_start3A_50] : memref<32x80x32xi32, #tpu.memory_space<hbm>> -> memref<1x80x32xi32, #tpu.memory_space<hbm>>
      %dma_start3A_52 = tpu.memref_squeeze %dma_start3A_51 : memref<1x80x32xi32, #tpu.memory_space<hbm>> -> memref<80x32xi32, #tpu.memory_space<hbm>>
      tpu.enqueue_dma source(%dma_start3A_52 : memref<80x32xi32, #tpu.memory_space<hbm>>) target(%arg6 : memref<80x32xi32, #tpu.memory_space<vmem>>) target_semaphore(%run_scoped3A : memref<!tpu.dma_semaphore, #tpu.memory_space<semaphore_mem>>)
      %dma_wait3A_53 = arith.constant 0 : i32
      %dma_wait3A_54 = arith.constant 0 : i32
      %dma_wait3A_55 = tpu.memref_slice %arg2[%add3A, %dma_wait3A_53, %dma_wait3A_54] : memref<32x80x32xi32, #tpu.memory_space<hbm>> -> memref<1x80x32xi32, #tpu.memory_space<hbm>>
      %dma_wait3A_56 = tpu.memref_squeeze %dma_wait3A_55 : memref<1x80x32xi32, #tpu.memory_space<hbm>> -> memref<80x32xi32, #tpu.memory_space<hbm>>
      %dma_wait3A_57 = arith.constant 0 : i32
      %dma_wait3A_58 = arith.constant 0 : i32
      %dma_wait3A_59 = tpu.memref_slice %arg2[%add3A, %dma_wait3A_57, %dma_wait3A_58] : memref<32x80x32xi32, #tpu.memory_space<hbm>> -> memref<1x80x32xi32, #tpu.memory_space<hbm>>
      %dma_wait3A_60 = tpu.memref_squeeze %dma_wait3A_59 : memref<1x80x32xi32, #tpu.memory_space<hbm>> -> memref<80x32xi32, #tpu.memory_space<hbm>>
      tpu.wait_dma2 semaphore(%run_scoped3A : memref<!tpu.dma_semaphore, #tpu.memory_space<semaphore_mem>>) src(%dma_wait3A_60 : memref<80x32xi32, #tpu.memory_space<hbm>>) dst(%arg6 : memref<80x32xi32, #tpu.memory_space<vmem>>)
      tpu.yield
    }) : () -> ()
    %iota3A = tpu.iota {dimensions = array<i32: 0>} : vector<16xi32>
    %shift_right_logical3A = arith.constant 2 : i32
    %shift_right_logical3A_3 = vector.broadcast %shift_right_logical3A : i32 to vector<16xi32>
    %shift_right_logical3A_4 = arith.shrui %iota3A, %shift_right_logical3A_3 : vector<16xi32>
    %scan3A = arith.constant 0 : i32
    %scan3A_5 = arith.constant 0 : i32
    %scan3A_6 = arith.constant 20 : i32
    %scan3A_7 = arith.addi %scan3A_5, %scan3A_6 : i32
    %scan3A_8 = arith.constant 1 : i32
    %scan3A_9 = scf.for %scan3A_46 = %scan3A_5 to %scan3A_7 step %scan3A_8 iter_args(%scan3A_47 = %scan3A) -> (i32)  : i32 {
      %mul3A_48 = arith.constant 4 : i32
      %mul3A_49 = arith.muli %mul3A_48, %scan3A_46 : i32
      %add3A_50 = arith.constant 0 : i32
      %add3A_51 = arith.addi %mul3A_49, %add3A_50 : i32
      %gt3A = arith.constant 0 : i32
      %gt3A_52 = arith.cmpi sgt, %scan3A_46, %gt3A : i32
      %convert_element_type3A = arith.extui %gt3A_52 : i1 to i32
      %cond3A = arith.constant 0 : i32
      %cond3A_53 = arith.cmpi ne, %convert_element_type3A, %cond3A : i32
      scf.if %cond3A_53 {
        %sub3A = arith.constant 4 : i32
        %sub3A_193 = arith.subi %add3A_51, %sub3A : i32
        %mul3A_194 = arith.constant 32 : i32
        %mul3A_195 = arith.muli %sub3A_193, %mul3A_194 : i32
        %add3A_196 = arith.addi %mul3A_2, %mul3A_195 : i32
        %dma_wait3A_197 = arith.constant 0 : i32
        %dma_wait3A_198 = arith.constant 0 : i32
        %dma_wait3A_199 = tpu.memref_slice %arg5[%add3A_196, %dma_wait3A_198] : memref<81920x512xf32, #tpu.memory_space<hbm>> -> memref<32x512xf32, #tpu.memory_space<hbm>>
        %dma_wait3A_200 = arith.constant 0 : i32
        %dma_wait3A_201 = arith.constant 0 : i32
        %dma_wait3A_202 = tpu.memref_slice %arg19[%arg1, %dma_wait3A_197, %dma_wait3A_200, %dma_wait3A_201] : memref<16x2x32x512xf32, #tpu.memory_space<vmem_shared>> -> memref<1x1x32x512xf32, #tpu.memory_space<vmem_shared>>
        %dma_wait3A_203 = tpu.memref_squeeze %dma_wait3A_202 : memref<1x1x32x512xf32, #tpu.memory_space<vmem_shared>> -> memref<32x512xf32, #tpu.memory_space<vmem_shared>>
        tpu.wait_dma2 semaphore(%arg28 : memref<!tpu.dma_semaphore, #tpu.memory_space<semaphore_mem>>) src(%dma_wait3A_203 : memref<32x512xf32, #tpu.memory_space<vmem_shared>>) dst(%dma_wait3A_199 : memref<32x512xf32, #tpu.memory_space<hbm>>)
      } else {
      }
      %dma_start3A = arith.constant 0 : i32
      %dma_start3A_54 = arith.constant 0 : i32
      %dma_start3A_55 = arith.constant 0 : i32
      %dma_start3A_56 = tpu.memref_slice %arg19[%arg1, %dma_start3A, %dma_start3A_54, %dma_start3A_55] : memref<16x2x32x512xf32, #tpu.memory_space<vmem_shared>> -> memref<1x1x32x512xf32, #tpu.memory_space<vmem_shared>>
      %dma_start3A_57 = tpu.memref_squeeze %dma_start3A_56 : memref<1x1x32x512xf32, #tpu.memory_space<vmem_shared>> -> memref<32x512xf32, #tpu.memory_space<vmem_shared>>
      %dma_start3A_58 = arith.constant 0 : i32
      %dma_start3A_59 = arith.constant 0 : i32
      %dma_start3A_60 = tpu.memref_slice %arg19[%arg1, %dma_start3A, %dma_start3A_58, %dma_start3A_59] : memref<16x2x32x512xf32, #tpu.memory_space<vmem_shared>> -> memref<1x1x32x512xf32, #tpu.memory_space<vmem_shared>>
      %dma_start3A_61 = tpu.memref_squeeze %dma_start3A_60 : memref<1x1x32x512xf32, #tpu.memory_space<vmem_shared>> -> memref<32x512xf32, #tpu.memory_space<vmem_shared>>
      tpu.enqueue_dma source(%arg15 : memref<32x512xf32, #tpu.memory_space<vmem>>) target(%dma_start3A_61 : memref<32x512xf32, #tpu.memory_space<vmem_shared>>) target_semaphore(%arg24 : memref<!tpu.dma_semaphore, #tpu.memory_space<semaphore_mem>>)
      %dma_wait3A_62 = arith.constant 0 : i32
      %dma_wait3A_63 = arith.constant 0 : i32
      %dma_wait3A_64 = arith.constant 0 : i32
      %dma_wait3A_65 = tpu.memref_slice %arg19[%arg1, %dma_wait3A_62, %dma_wait3A_63, %dma_wait3A_64] : memref<16x2x32x512xf32, #tpu.memory_space<vmem_shared>> -> memref<1x1x32x512xf32, #tpu.memory_space<vmem_shared>>
      %dma_wait3A_66 = tpu.memref_squeeze %dma_wait3A_65 : memref<1x1x32x512xf32, #tpu.memory_space<vmem_shared>> -> memref<32x512xf32, #tpu.memory_space<vmem_shared>>
      %dma_wait3A_67 = arith.constant 0 : i32
      %dma_wait3A_68 = arith.constant 0 : i32
      %dma_wait3A_69 = tpu.memref_slice %arg19[%arg1, %dma_wait3A_62, %dma_wait3A_67, %dma_wait3A_68] : memref<16x2x32x512xf32, #tpu.memory_space<vmem_shared>> -> memref<1x1x32x512xf32, #tpu.memory_space<vmem_shared>>
      %dma_wait3A_70 = tpu.memref_squeeze %dma_wait3A_69 : memref<1x1x32x512xf32, #tpu.memory_space<vmem_shared>> -> memref<32x512xf32, #tpu.memory_space<vmem_shared>>
      tpu.wait_dma2 semaphore(%arg24 : memref<!tpu.dma_semaphore, #tpu.memory_space<semaphore_mem>>) src(%arg15 : memref<32x512xf32, #tpu.memory_space<vmem>>) dst(%dma_wait3A_70 : memref<32x512xf32, #tpu.memory_space<vmem_shared>>)
      %mul3A_71 = arith.constant 32 : i32
      %mul3A_72 = arith.muli %add3A_51, %mul3A_71 : i32
      %add3A_73 = arith.addi %mul3A_2, %mul3A_72 : i32
      %dma_start3A_74 = arith.constant 0 : i32
      %dma_start3A_75 = arith.constant 0 : i32
      %dma_start3A_76 = tpu.memref_slice %arg5[%add3A_73, %dma_start3A_75] : memref<81920x512xf32, #tpu.memory_space<hbm>> -> memref<32x512xf32, #tpu.memory_space<hbm>>
      %dma_start3A_77 = arith.constant 0 : i32
      %dma_start3A_78 = arith.constant 0 : i32
      %dma_start3A_79 = tpu.memref_slice %arg19[%arg1, %dma_start3A_74, %dma_start3A_77, %dma_start3A_78] : memref<16x2x32x512xf32, #tpu.memory_space<vmem_shared>> -> memref<1x1x32x512xf32, #tpu.memory_space<vmem_shared>>
      %dma_start3A_80 = tpu.memref_squeeze %dma_start3A_79 : memref<1x1x32x512xf32, #tpu.memory_space<vmem_shared>> -> memref<32x512xf32, #tpu.memory_space<vmem_shared>>
      tpu.enqueue_dma source(%dma_start3A_80 : memref<32x512xf32, #tpu.memory_space<vmem_shared>>) target(%dma_start3A_76 : memref<32x512xf32, #tpu.memory_space<hbm>>) target_semaphore(%arg28 : memref<!tpu.dma_semaphore, #tpu.memory_space<semaphore_mem>>)
      %mul3A_81 = arith.constant 4 : i32
      %mul3A_82 = arith.muli %mul3A_81, %scan3A_46 : i32
      %add3A_83 = arith.constant 1 : i32
      %add3A_84 = arith.addi %mul3A_82, %add3A_83 : i32
      %gt3A_85 = arith.constant 0 : i32
      %gt3A_86 = arith.cmpi sgt, %scan3A_46, %gt3A_85 : i32
      %convert_element_type3A_87 = arith.extui %gt3A_86 : i1 to i32
      %cond3A_88 = arith.constant 0 : i32
      %cond3A_89 = arith.cmpi ne, %convert_element_type3A_87, %cond3A_88 : i32
      scf.if %cond3A_89 {
        %sub3A = arith.constant 4 : i32
        %sub3A_193 = arith.subi %add3A_84, %sub3A : i32
        %mul3A_194 = arith.constant 32 : i32
        %mul3A_195 = arith.muli %sub3A_193, %mul3A_194 : i32
        %add3A_196 = arith.addi %mul3A_2, %mul3A_195 : i32
        %dma_wait3A_197 = arith.constant 1 : i32
        %dma_wait3A_198 = arith.constant 0 : i32
        %dma_wait3A_199 = tpu.memref_slice %arg5[%add3A_196, %dma_wait3A_198] : memref<81920x512xf32, #tpu.memory_space<hbm>> -> memref<32x512xf32, #tpu.memory_space<hbm>>
        %dma_wait3A_200 = arith.constant 0 : i32
        %dma_wait3A_201 = arith.constant 0 : i32
        %dma_wait3A_202 = tpu.memref_slice %arg19[%arg1, %dma_wait3A_197, %dma_wait3A_200, %dma_wait3A_201] : memref<16x2x32x512xf32, #tpu.memory_space<vmem_shared>> -> memref<1x1x32x512xf32, #tpu.memory_space<vmem_shared>>
        %dma_wait3A_203 = tpu.memref_squeeze %dma_wait3A_202 : memref<1x1x32x512xf32, #tpu.memory_space<vmem_shared>> -> memref<32x512xf32, #tpu.memory_space<vmem_shared>>
        tpu.wait_dma2 semaphore(%arg29 : memref<!tpu.dma_semaphore, #tpu.memory_space<semaphore_mem>>) src(%dma_wait3A_203 : memref<32x512xf32, #tpu.memory_space<vmem_shared>>) dst(%dma_wait3A_199 : memref<32x512xf32, #tpu.memory_space<hbm>>)
      } else {
      }
      %dma_start3A_90 = arith.constant 1 : i32
      %dma_start3A_91 = arith.constant 0 : i32
      %dma_start3A_92 = arith.constant 0 : i32
      %dma_start3A_93 = tpu.memref_slice %arg19[%arg1, %dma_start3A_90, %dma_start3A_91, %dma_start3A_92] : memref<16x2x32x512xf32, #tpu.memory_space<vmem_shared>> -> memref<1x1x32x512xf32, #tpu.memory_space<vmem_shared>>
      %dma_start3A_94 = tpu.memref_squeeze %dma_start3A_93 : memref<1x1x32x512xf32, #tpu.memory_space<vmem_shared>> -> memref<32x512xf32, #tpu.memory_space<vmem_shared>>
      %dma_start3A_95 = arith.constant 0 : i32
      %dma_start3A_96 = arith.constant 0 : i32
      %dma_start3A_97 = tpu.memref_slice %arg19[%arg1, %dma_start3A_90, %dma_start3A_95, %dma_start3A_96] : memref<16x2x32x512xf32, #tpu.memory_space<vmem_shared>> -> memref<1x1x32x512xf32, #tpu.memory_space<vmem_shared>>
      %dma_start3A_98 = tpu.memref_squeeze %dma_start3A_97 : memref<1x1x32x512xf32, #tpu.memory_space<vmem_shared>> -> memref<32x512xf32, #tpu.memory_space<vmem_shared>>
      tpu.enqueue_dma source(%arg16 : memref<32x512xf32, #tpu.memory_space<vmem>>) target(%dma_start3A_98 : memref<32x512xf32, #tpu.memory_space<vmem_shared>>) target_semaphore(%arg25 : memref<!tpu.dma_semaphore, #tpu.memory_space<semaphore_mem>>)
      %dma_wait3A_99 = arith.constant 1 : i32
      %dma_wait3A_100 = arith.constant 0 : i32
      %dma_wait3A_101 = arith.constant 0 : i32
      %dma_wait3A_102 = tpu.memref_slice %arg19[%arg1, %dma_wait3A_99, %dma_wait3A_100, %dma_wait3A_101] : memref<16x2x32x512xf32, #tpu.memory_space<vmem_shared>> -> memref<1x1x32x512xf32, #tpu.memory_space<vmem_shared>>
      %dma_wait3A_103 = tpu.memref_squeeze %dma_wait3A_102 : memref<1x1x32x512xf32, #tpu.memory_space<vmem_shared>> -> memref<32x512xf32, #tpu.memory_space<vmem_shared>>
      %dma_wait3A_104 = arith.constant 0 : i32
      %dma_wait3A_105 = arith.constant 0 : i32
      %dma_wait3A_106 = tpu.memref_slice %arg19[%arg1, %dma_wait3A_99, %dma_wait3A_104, %dma_wait3A_105] : memref<16x2x32x512xf32, #tpu.memory_space<vmem_shared>> -> memref<1x1x32x512xf32, #tpu.memory_space<vmem_shared>>
      %dma_wait3A_107 = tpu.memref_squeeze %dma_wait3A_106 : memref<1x1x32x512xf32, #tpu.memory_space<vmem_shared>> -> memref<32x512xf32, #tpu.memory_space<vmem_shared>>
      tpu.wait_dma2 semaphore(%arg25 : memref<!tpu.dma_semaphore, #tpu.memory_space<semaphore_mem>>) src(%arg16 : memref<32x512xf32, #tpu.memory_space<vmem>>) dst(%dma_wait3A_107 : memref<32x512xf32, #tpu.memory_space<vmem_shared>>)
      %mul3A_108 = arith.constant 32 : i32
      %mul3A_109 = arith.muli %add3A_84, %mul3A_108 : i32
      %add3A_110 = arith.addi %mul3A_2, %mul3A_109 : i32
      %dma_start3A_111 = arith.constant 1 : i32
      %dma_start3A_112 = arith.constant 0 : i32
      %dma_start3A_113 = tpu.memref_slice %arg5[%add3A_110, %dma_start3A_112] : memref<81920x512xf32, #tpu.memory_space<hbm>> -> memref<32x512xf32, #tpu.memory_space<hbm>>
      %dma_start3A_114 = arith.constant 0 : i32
      %dma_start3A_115 = arith.constant 0 : i32
      %dma_start3A_116 = tpu.memref_slice %arg19[%arg1, %dma_start3A_111, %dma_start3A_114, %dma_start3A_115] : memref<16x2x32x512xf32, #tpu.memory_space<vmem_shared>> -> memref<1x1x32x512xf32, #tpu.memory_space<vmem_shared>>
      %dma_start3A_117 = tpu.memref_squeeze %dma_start3A_116 : memref<1x1x32x512xf32, #tpu.memory_space<vmem_shared>> -> memref<32x512xf32, #tpu.memory_space<vmem_shared>>
      tpu.enqueue_dma source(%dma_start3A_117 : memref<32x512xf32, #tpu.memory_space<vmem_shared>>) target(%dma_start3A_113 : memref<32x512xf32, #tpu.memory_space<hbm>>) target_semaphore(%arg29 : memref<!tpu.dma_semaphore, #tpu.memory_space<semaphore_mem>>)
      %mul3A_118 = arith.constant 4 : i32
      %mul3A_119 = arith.muli %mul3A_118, %scan3A_46 : i32
      %add3A_120 = arith.constant 2 : i32
      %add3A_121 = arith.addi %mul3A_119, %add3A_120 : i32
      %gt3A_122 = arith.constant 0 : i32
      %gt3A_123 = arith.cmpi sgt, %scan3A_46, %gt3A_122 : i32
      %convert_element_type3A_124 = arith.extui %gt3A_123 : i1 to i32
      %cond3A_125 = arith.constant 0 : i32
      %cond3A_126 = arith.cmpi ne, %convert_element_type3A_124, %cond3A_125 : i32
      scf.if %cond3A_126 {
        %sub3A = arith.constant 4 : i32
        %sub3A_193 = arith.subi %add3A_121, %sub3A : i32
        %mul3A_194 = arith.constant 32 : i32
        %mul3A_195 = arith.muli %sub3A_193, %mul3A_194 : i32
        %add3A_196 = arith.addi %mul3A_2, %mul3A_195 : i32
        %dma_wait3A_197 = arith.constant 0 : i32
        %dma_wait3A_198 = arith.constant 0 : i32
        %dma_wait3A_199 = tpu.memref_slice %arg5[%add3A_196, %dma_wait3A_198] : memref<81920x512xf32, #tpu.memory_space<hbm>> -> memref<32x512xf32, #tpu.memory_space<hbm>>
        %dma_wait3A_200 = arith.constant 0 : i32
        %dma_wait3A_201 = arith.constant 0 : i32
        %dma_wait3A_202 = tpu.memref_slice %arg19[%arg1, %dma_wait3A_197, %dma_wait3A_200, %dma_wait3A_201] : memref<16x2x32x512xf32, #tpu.memory_space<vmem_shared>> -> memref<1x1x32x512xf32, #tpu.memory_space<vmem_shared>>
        %dma_wait3A_203 = tpu.memref_squeeze %dma_wait3A_202 : memref<1x1x32x512xf32, #tpu.memory_space<vmem_shared>> -> memref<32x512xf32, #tpu.memory_space<vmem_shared>>
        tpu.wait_dma2 semaphore(%arg30 : memref<!tpu.dma_semaphore, #tpu.memory_space<semaphore_mem>>) src(%dma_wait3A_203 : memref<32x512xf32, #tpu.memory_space<vmem_shared>>) dst(%dma_wait3A_199 : memref<32x512xf32, #tpu.memory_space<hbm>>)
      } else {
      }
      %dma_start3A_127 = arith.constant 0 : i32
      %dma_start3A_128 = arith.constant 0 : i32
      %dma_start3A_129 = arith.constant 0 : i32
      %dma_start3A_130 = tpu.memref_slice %arg19[%arg1, %dma_start3A_127, %dma_start3A_128, %dma_start3A_129] : memref<16x2x32x512xf32, #tpu.memory_space<vmem_shared>> -> memref<1x1x32x512xf32, #tpu.memory_space<vmem_shared>>
      %dma_start3A_131 = tpu.memref_squeeze %dma_start3A_130 : memref<1x1x32x512xf32, #tpu.memory_space<vmem_shared>> -> memref<32x512xf32, #tpu.memory_space<vmem_shared>>
      %dma_start3A_132 = arith.constant 0 : i32
      %dma_start3A_133 = arith.constant 0 : i32
      %dma_start3A_134 = tpu.memref_slice %arg19[%arg1, %dma_start3A_127, %dma_start3A_132, %dma_start3A_133] : memref<16x2x32x512xf32, #tpu.memory_space<vmem_shared>> -> memref<1x1x32x512xf32, #tpu.memory_space<vmem_shared>>
      %dma_start3A_135 = tpu.memref_squeeze %dma_start3A_134 : memref<1x1x32x512xf32, #tpu.memory_space<vmem_shared>> -> memref<32x512xf32, #tpu.memory_space<vmem_shared>>
      tpu.enqueue_dma source(%arg17 : memref<32x512xf32, #tpu.memory_space<vmem>>) target(%dma_start3A_135 : memref<32x512xf32, #tpu.memory_space<vmem_shared>>) target_semaphore(%arg26 : memref<!tpu.dma_semaphore, #tpu.memory_space<semaphore_mem>>)
      %dma_wait3A_136 = arith.constant 0 : i32
      %dma_wait3A_137 = arith.constant 0 : i32
      %dma_wait3A_138 = arith.constant 0 : i32
      %dma_wait3A_139 = tpu.memref_slice %arg19[%arg1, %dma_wait3A_136, %dma_wait3A_137, %dma_wait3A_138] : memref<16x2x32x512xf32, #tpu.memory_space<vmem_shared>> -> memref<1x1x32x512xf32, #tpu.memory_space<vmem_shared>>
      %dma_wait3A_140 = tpu.memref_squeeze %dma_wait3A_139 : memref<1x1x32x512xf32, #tpu.memory_space<vmem_shared>> -> memref<32x512xf32, #tpu.memory_space<vmem_shared>>
      %dma_wait3A_141 = arith.constant 0 : i32
      %dma_wait3A_142 = arith.constant 0 : i32
      %dma_wait3A_143 = tpu.memref_slice %arg19[%arg1, %dma_wait3A_136, %dma_wait3A_141, %dma_wait3A_142] : memref<16x2x32x512xf32, #tpu.memory_space<vmem_shared>> -> memref<1x1x32x512xf32, #tpu.memory_space<vmem_shared>>
      %dma_wait3A_144 = tpu.memref_squeeze %dma_wait3A_143 : memref<1x1x32x512xf32, #tpu.memory_space<vmem_shared>> -> memref<32x512xf32, #tpu.memory_space<vmem_shared>>
      tpu.wait_dma2 semaphore(%arg26 : memref<!tpu.dma_semaphore, #tpu.memory_space<semaphore_mem>>) src(%arg17 : memref<32x512xf32, #tpu.memory_space<vmem>>) dst(%dma_wait3A_144 : memref<32x512xf32, #tpu.memory_space<vmem_shared>>)
      %mul3A_145 = arith.constant 32 : i32
      %mul3A_146 = arith.muli %add3A_121, %mul3A_145 : i32
      %add3A_147 = arith.addi %mul3A_2, %mul3A_146 : i32
      %dma_start3A_148 = arith.constant 0 : i32
      %dma_start3A_149 = arith.constant 0 : i32
      %dma_start3A_150 = tpu.memref_slice %arg5[%add3A_147, %dma_start3A_149] : memref<81920x512xf32, #tpu.memory_space<hbm>> -> memref<32x512xf32, #tpu.memory_space<hbm>>
      %dma_start3A_151 = arith.constant 0 : i32
      %dma_start3A_152 = arith.constant 0 : i32
      %dma_start3A_153 = tpu.memref_slice %arg19[%arg1, %dma_start3A_148, %dma_start3A_151, %dma_start3A_152] : memref<16x2x32x512xf32, #tpu.memory_space<vmem_shared>> -> memref<1x1x32x512xf32, #tpu.memory_space<vmem_shared>>
      %dma_start3A_154 = tpu.memref_squeeze %dma_start3A_153 : memref<1x1x32x512xf32, #tpu.memory_space<vmem_shared>> -> memref<32x512xf32, #tpu.memory_space<vmem_shared>>
      tpu.enqueue_dma source(%dma_start3A_154 : memref<32x512xf32, #tpu.memory_space<vmem_shared>>) target(%dma_start3A_150 : memref<32x512xf32, #tpu.memory_space<hbm>>) target_semaphore(%arg30 : memref<!tpu.dma_semaphore, #tpu.memory_space<semaphore_mem>>)
      %mul3A_155 = arith.constant 4 : i32
      %mul3A_156 = arith.muli %mul3A_155, %scan3A_46 : i32
      %add3A_157 = arith.constant 3 : i32
      %add3A_158 = arith.addi %mul3A_156, %add3A_157 : i32
      %gt3A_159 = arith.constant 0 : i32
      %gt3A_160 = arith.cmpi sgt, %scan3A_46, %gt3A_159 : i32
      %convert_element_type3A_161 = arith.extui %gt3A_160 : i1 to i32
      %cond3A_162 = arith.constant 0 : i32
      %cond3A_163 = arith.cmpi ne, %convert_element_type3A_161, %cond3A_162 : i32
      scf.if %cond3A_163 {
        %sub3A = arith.constant 4 : i32
        %sub3A_193 = arith.subi %add3A_158, %sub3A : i32
        %mul3A_194 = arith.constant 32 : i32
        %mul3A_195 = arith.muli %sub3A_193, %mul3A_194 : i32
        %add3A_196 = arith.addi %mul3A_2, %mul3A_195 : i32
        %dma_wait3A_197 = arith.constant 1 : i32
        %dma_wait3A_198 = arith.constant 0 : i32
        %dma_wait3A_199 = tpu.memref_slice %arg5[%add3A_196, %dma_wait3A_198] : memref<81920x512xf32, #tpu.memory_space<hbm>> -> memref<32x512xf32, #tpu.memory_space<hbm>>
        %dma_wait3A_200 = arith.constant 0 : i32
        %dma_wait3A_201 = arith.constant 0 : i32
        %dma_wait3A_202 = tpu.memref_slice %arg19[%arg1, %dma_wait3A_197, %dma_wait3A_200, %dma_wait3A_201] : memref<16x2x32x512xf32, #tpu.memory_space<vmem_shared>> -> memref<1x1x32x512xf32, #tpu.memory_space<vmem_shared>>
        %dma_wait3A_203 = tpu.memref_squeeze %dma_wait3A_202 : memref<1x1x32x512xf32, #tpu.memory_space<vmem_shared>> -> memref<32x512xf32, #tpu.memory_space<vmem_shared>>
        tpu.wait_dma2 semaphore(%arg31 : memref<!tpu.dma_semaphore, #tpu.memory_space<semaphore_mem>>) src(%dma_wait3A_203 : memref<32x512xf32, #tpu.memory_space<vmem_shared>>) dst(%dma_wait3A_199 : memref<32x512xf32, #tpu.memory_space<hbm>>)
      } else {
      }
      %dma_start3A_164 = arith.constant 1 : i32
      %dma_start3A_165 = arith.constant 0 : i32
      %dma_start3A_166 = arith.constant 0 : i32
      %dma_start3A_167 = tpu.memref_slice %arg19[%arg1, %dma_start3A_164, %dma_start3A_165, %dma_start3A_166] : memref<16x2x32x512xf32, #tpu.memory_space<vmem_shared>> -> memref<1x1x32x512xf32, #tpu.memory_space<vmem_shared>>
      %dma_start3A_168 = tpu.memref_squeeze %dma_start3A_167 : memref<1x1x32x512xf32, #tpu.memory_space<vmem_shared>> -> memref<32x512xf32, #tpu.memory_space<vmem_shared>>
      %dma_start3A_169 = arith.constant 0 : i32
      %dma_start3A_170 = arith.constant 0 : i32
      %dma_start3A_171 = tpu.memref_slice %arg19[%arg1, %dma_start3A_164, %dma_start3A_169, %dma_start3A_170] : memref<16x2x32x512xf32, #tpu.memory_space<vmem_shared>> -> memref<1x1x32x512xf32, #tpu.memory_space<vmem_shared>>
      %dma_start3A_172 = tpu.memref_squeeze %dma_start3A_171 : memref<1x1x32x512xf32, #tpu.memory_space<vmem_shared>> -> memref<32x512xf32, #tpu.memory_space<vmem_shared>>
      tpu.enqueue_dma source(%arg18 : memref<32x512xf32, #tpu.memory_space<vmem>>) target(%dma_start3A_172 : memref<32x512xf32, #tpu.memory_space<vmem_shared>>) target_semaphore(%arg27 : memref<!tpu.dma_semaphore, #tpu.memory_space<semaphore_mem>>)
      %dma_wait3A_173 = arith.constant 1 : i32
      %dma_wait3A_174 = arith.constant 0 : i32
      %dma_wait3A_175 = arith.constant 0 : i32
      %dma_wait3A_176 = tpu.memref_slice %arg19[%arg1, %dma_wait3A_173, %dma_wait3A_174, %dma_wait3A_175] : memref<16x2x32x512xf32, #tpu.memory_space<vmem_shared>> -> memref<1x1x32x512xf32, #tpu.memory_space<vmem_shared>>
      %dma_wait3A_177 = tpu.memref_squeeze %dma_wait3A_176 : memref<1x1x32x512xf32, #tpu.memory_space<vmem_shared>> -> memref<32x512xf32, #tpu.memory_space<vmem_shared>>
      %dma_wait3A_178 = arith.constant 0 : i32
      %dma_wait3A_179 = arith.constant 0 : i32
      %dma_wait3A_180 = tpu.memref_slice %arg19[%arg1, %dma_wait3A_173, %dma_wait3A_178, %dma_wait3A_179] : memref<16x2x32x512xf32, #tpu.memory_space<vmem_shared>> -> memref<1x1x32x512xf32, #tpu.memory_space<vmem_shared>>
      %dma_wait3A_181 = tpu.memref_squeeze %dma_wait3A_180 : memref<1x1x32x512xf32, #tpu.memory_space<vmem_shared>> -> memref<32x512xf32, #tpu.memory_space<vmem_shared>>
      tpu.wait_dma2 semaphore(%arg27 : memref<!tpu.dma_semaphore, #tpu.memory_space<semaphore_mem>>) src(%arg18 : memref<32x512xf32, #tpu.memory_space<vmem>>) dst(%dma_wait3A_181 : memref<32x512xf32, #tpu.memory_space<vmem_shared>>)
      %mul3A_182 = arith.constant 32 : i32
      %mul3A_183 = arith.muli %add3A_158, %mul3A_182 : i32
      %add3A_184 = arith.addi %mul3A_2, %mul3A_183 : i32
      %dma_start3A_185 = arith.constant 1 : i32
      %dma_start3A_186 = arith.constant 0 : i32
      %dma_start3A_187 = tpu.memref_slice %arg5[%add3A_184, %dma_start3A_186] : memref<81920x512xf32, #tpu.memory_space<hbm>> -> memref<32x512xf32, #tpu.memory_space<hbm>>
      %dma_start3A_188 = arith.constant 0 : i32
      %dma_start3A_189 = arith.constant 0 : i32
      %dma_start3A_190 = tpu.memref_slice %arg19[%arg1, %dma_start3A_185, %dma_start3A_188, %dma_start3A_189] : memref<16x2x32x512xf32, #tpu.memory_space<vmem_shared>> -> memref<1x1x32x512xf32, #tpu.memory_space<vmem_shared>>
      %dma_start3A_191 = tpu.memref_squeeze %dma_start3A_190 : memref<1x1x32x512xf32, #tpu.memory_space<vmem_shared>> -> memref<32x512xf32, #tpu.memory_space<vmem_shared>>
      tpu.enqueue_dma source(%dma_start3A_191 : memref<32x512xf32, #tpu.memory_space<vmem_shared>>) target(%dma_start3A_187 : memref<32x512xf32, #tpu.memory_space<hbm>>) target_semaphore(%arg31 : memref<!tpu.dma_semaphore, #tpu.memory_space<semaphore_mem>>)
      %scan3A_192 = arith.constant 0 : i32
      scf.yield %scan3A_192 : i32
    }
    %scan3A_10 = arith.constant 20 : i32
    %add3A_11 = arith.constant 2432 : i32
    %add3A_12 = arith.addi %mul3A_2, %add3A_11 : i32
    %dma_wait3A = arith.constant 0 : i32
    %dma_wait3A_13 = arith.constant 0 : i32
    %dma_wait3A_14 = tpu.memref_slice %arg5[%add3A_12, %dma_wait3A_13] : memref<81920x512xf32, #tpu.memory_space<hbm>> -> memref<32x512xf32, #tpu.memory_space<hbm>>
    %dma_wait3A_15 = arith.constant 0 : i32
    %dma_wait3A_16 = arith.constant 0 : i32
    %dma_wait3A_17 = tpu.memref_slice %arg19[%arg1, %dma_wait3A, %dma_wait3A_15, %dma_wait3A_16] : memref<16x2x32x512xf32, #tpu.memory_space<vmem_shared>> -> memref<1x1x32x512xf32, #tpu.memory_space<vmem_shared>>
    %dma_wait3A_18 = tpu.memref_squeeze %dma_wait3A_17 : memref<1x1x32x512xf32, #tpu.memory_space<vmem_shared>> -> memref<32x512xf32, #tpu.memory_space<vmem_shared>>
    tpu.wait_dma2 semaphore(%arg28 : memref<!tpu.dma_semaphore, #tpu.memory_space<semaphore_mem>>) src(%dma_wait3A_18 : memref<32x512xf32, #tpu.memory_space<vmem_shared>>) dst(%dma_wait3A_14 : memref<32x512xf32, #tpu.memory_space<hbm>>)
    %add3A_19 = arith.constant 2464 : i32
    %add3A_20 = arith.addi %mul3A_2, %add3A_19 : i32
    %dma_wait3A_21 = arith.constant 1 : i32
    %dma_wait3A_22 = arith.constant 0 : i32
    %dma_wait3A_23 = tpu.memref_slice %arg5[%add3A_20, %dma_wait3A_22] : memref<81920x512xf32, #tpu.memory_space<hbm>> -> memref<32x512xf32, #tpu.memory_space<hbm>>
    %dma_wait3A_24 = arith.constant 0 : i32
    %dma_wait3A_25 = arith.constant 0 : i32
    %dma_wait3A_26 = tpu.memref_slice %arg19[%arg1, %dma_wait3A_21, %dma_wait3A_24, %dma_wait3A_25] : memref<16x2x32x512xf32, #tpu.memory_space<vmem_shared>> -> memref<1x1x32x512xf32, #tpu.memory_space<vmem_shared>>
    %dma_wait3A_27 = tpu.memref_squeeze %dma_wait3A_26 : memref<1x1x32x512xf32, #tpu.memory_space<vmem_shared>> -> memref<32x512xf32, #tpu.memory_space<vmem_shared>>
    tpu.wait_dma2 semaphore(%arg29 : memref<!tpu.dma_semaphore, #tpu.memory_space<semaphore_mem>>) src(%dma_wait3A_27 : memref<32x512xf32, #tpu.memory_space<vmem_shared>>) dst(%dma_wait3A_23 : memref<32x512xf32, #tpu.memory_space<hbm>>)
    %add3A_28 = arith.constant 2496 : i32
    %add3A_29 = arith.addi %mul3A_2, %add3A_28 : i32
    %dma_wait3A_30 = arith.constant 0 : i32
    %dma_wait3A_31 = arith.constant 0 : i32
    %dma_wait3A_32 = tpu.memref_slice %arg5[%add3A_29, %dma_wait3A_31] : memref<81920x512xf32, #tpu.memory_space<hbm>> -> memref<32x512xf32, #tpu.memory_space<hbm>>
    %dma_wait3A_33 = arith.constant 0 : i32
    %dma_wait3A_34 = arith.constant 0 : i32
    %dma_wait3A_35 = tpu.memref_slice %arg19[%arg1, %dma_wait3A_30, %dma_wait3A_33, %dma_wait3A_34] : memref<16x2x32x512xf32, #tpu.memory_space<vmem_shared>> -> memref<1x1x32x512xf32, #tpu.memory_space<vmem_shared>>
    %dma_wait3A_36 = tpu.memref_squeeze %dma_wait3A_35 : memref<1x1x32x512xf32, #tpu.memory_space<vmem_shared>> -> memref<32x512xf32, #tpu.memory_space<vmem_shared>>
    tpu.wait_dma2 semaphore(%arg30 : memref<!tpu.dma_semaphore, #tpu.memory_space<semaphore_mem>>) src(%dma_wait3A_36 : memref<32x512xf32, #tpu.memory_space<vmem_shared>>) dst(%dma_wait3A_32 : memref<32x512xf32, #tpu.memory_space<hbm>>)
    %add3A_37 = arith.constant 2528 : i32
    %add3A_38 = arith.addi %mul3A_2, %add3A_37 : i32
    %dma_wait3A_39 = arith.constant 1 : i32
    %dma_wait3A_40 = arith.constant 0 : i32
    %dma_wait3A_41 = tpu.memref_slice %arg5[%add3A_38, %dma_wait3A_40] : memref<81920x512xf32, #tpu.memory_space<hbm>> -> memref<32x512xf32, #tpu.memory_space<hbm>>
    %dma_wait3A_42 = arith.constant 0 : i32
    %dma_wait3A_43 = arith.constant 0 : i32
    %dma_wait3A_44 = tpu.memref_slice %arg19[%arg1, %dma_wait3A_39, %dma_wait3A_42, %dma_wait3A_43] : memref<16x2x32x512xf32, #tpu.memory_space<vmem_shared>> -> memref<1x1x32x512xf32, #tpu.memory_space<vmem_shared>>
    %dma_wait3A_45 = tpu.memref_squeeze %dma_wait3A_44 : memref<1x1x32x512xf32, #tpu.memory_space<vmem_shared>> -> memref<32x512xf32, #tpu.memory_space<vmem_shared>>
    tpu.wait_dma2 semaphore(%arg31 : memref<!tpu.dma_semaphore, #tpu.memory_space<semaphore_mem>>) src(%dma_wait3A_45 : memref<32x512xf32, #tpu.memory_space<vmem_shared>>) dst(%dma_wait3A_41 : memref<32x512xf32, #tpu.memory_space<hbm>>)
    return
  }
}

</mosaic_0001>

<sc_bundles>
// kernel: kernel.3.cloned.1.call-start
scs
__scs_entry_jumppad:
0x0: {  	(pc) =	sbr.rel $0x88, $3  }
0x1: {  	(tag) =	ssettag $0x0;
	lr =	simm.s32 $0x1  }
0x2: {  	[smem:$0x3F9E] =	sst lr;
	_ =	strace $0xD0000000  }
0x3: {  	_ = 	snop  }
0x4: {  	_ = 	snop  }
0x5: {  	_ = 	snop  }
0x6: {  	_ = 	snop  }
0x7: {  	_ = 	snop  }
__scs_overlays_trampoline_lowered:
0x8: {  	[smem:$0x3FAD] =	sst s0  }
0x9: {  	[smem:$0x3FAE] =	sst s1  }
0xa: {  	[smem:$0x3FAF] =	sst s2  }
0xb: {  	[smem:$0x3FB0] =	sst s3  }
0xc: {  	[smem:$0x3FB1] =	sst s4  }
0xd: {  	[smem:$0x3FB2] =	sst s5  }
0xe: {  	[smem:$0x3FB3] =	sst s6  }
0xf: {  	[smem:$0x3FB4] =	sst s7  }
0x10: {  	[smem:$0x3FB5] =	sst s8  }
0x11: {  	[smem:$0x3FB6] =	sst s9;
	s0 =	simm.s32 @!p0 $0x0  }
0x12: {  	s1 =	sld [smem:$0x3F9C];
	s0 =	simm.s32 @p0 $0x1  }
0x13: {  	[smem:$0x3FB7] =	sst s0;
	s0 =	simm.s32 @!p1 $0x0  }
0x14: {  	s2 =	sld [smem:$0x3F9B];
	s0 =	simm.s32 @p1 $0x1  }
0x15: {  	[smem:$0x3FB8] =	sst s0;
	s0 =	simm.s32 @!p2 $0x0  }
0x16: {  	s3 =	sld [smem:$0x3FDB];
	s0 =	simm.s32 @p2 $0x1  }
0x17: {  	s4 =	simm.s32 $0x1BF5;
	[smem:$0x3FBA] =	sst s0  }
0x18: {  	s0 =	sld [smem:$0x3F9D];
	_ =	swait.ge [sflag:s4], $0x0  }
0x19: {  	s7 =	sld [smem:$0x3F9E]  }
0x1a: {  	s8 =	sadd.s32 $0xFFFFE003, lr  }
0x1b: {  	s9 =	sadd.s32 $0xFFFFFEF7, lr;
	s5 =	simm.s32 $0xFFFFFFFF;
	p2 =	slt.u32 s8, $0xFFFFF086  }
0x1c: {  	p1 =	slt.u32 s9, $0xF7A;
	s5 =	simm.s32 @!p2 $0x0  }
0x1d: {  	s5 =	simm.s32 @p1 $0x1;
	p0 =	seq.s32 s7, s2  }
0x1e: {  	s7 =	smul.u32 @!p0 $0xF7A, s2;
	p2 =	seq.s32 @!p0 s5, $0x0  }
0x1f: {  	s9 =	smul.u32 $0xF7A, s1;
	s8 =	simm.s32 @!p0 $0x1BF5;
	p2 =	por !p2, p0  }
0x20: {  	[sflag:s8] =	ssyncset.s32 @!p0 $0xFFFFF086;
	s6 =	sadd.s32 @!p0 s3, s7;
	s7 =	simm.s32 @!p0 $0x108  }
0x21: {  	s3 =	sadd.s32 s3, s9;
	s6 =	sadd.s32 @!p0 $0x88, s6;
	s7 =	simm.s32 @p2 $0x1082  }
0x22: {  	[simem:s7], [sflag:s8] =	dma.local @!p0 [hbm:s6], $0xF7A  }
0x23: {  	s9 =	sor.u32 $0xD0000000, s2;
	s6 =	simm.s32 $0x108;
	_ =	swait.ge @!p0 [sflag:s8], $0x0  }
0x24: {  	s3 =	sadd.s32 $0x88, s3;
	s6 =	simm.s32 @!p1 $0x1082;
	[sflag:s4] =	ssyncset.s32 $0xFFFFF086  }
0x25: {  	[simem:s6], [sflag:s4] =	dma.local [hbm:s3], $0xF7A  }
0x26: {  	[smem:$0x3F9E] =	sst s1;
	(tag) =	ssettag s2;
	_ =	strace s9  }
0x27: {  	s1 =	sld [smem:$0x3FAE]  }
0x28: {  	s2 =	sld [smem:$0x3FAF]  }
0x29: {  	s4 =	sld [smem:$0x3FB1]  }
0x2a: {  	p0 =	seq.s32 s5, $0x0;
	s5 =	sld [smem:$0x3FB2]  }
0x2b: {  	s6 =	sld [smem:$0x3FB3]  }
0x2c: {  	s7 =	sld [smem:$0x3FB4]  }
0x2d: {  	s3 =	simm.s32 $0x108;
	s8 =	sld [smem:$0x3FB5]  }
0x2e: {  	s3 =	simm.s32 @!p0 $0x1082;
	s9 =	sld [smem:$0x3FB6]  }
0x2f: {  	lr =	sadd.s32 s0, s3;
	s0 =	sld [smem:$0x3FAD]  }
0x30: {  	s3 =	sld [smem:$0x3FB0]  }
0x31: {  	[smem:$0x3FB9] =	sst s10  }
0x32: {  	s10 =	sld [smem:$0x3FB7];
	_ =	sdelay $0x3  }
0x33: {  	p0 =	seq.s32 s10, $0x1;
	s10 =	sld [smem:$0x3FB9];
	_ =	sdelay $0x3  }
0x34: {  	[smem:$0x3FB9] =	sst s10  }
0x35: {  	s10 =	sld [smem:$0x3FB8];
	_ =	sdelay $0x3  }
0x36: {  	p1 =	seq.s32 s10, $0x1;
	s10 =	sld [smem:$0x3FB9];
	_ =	sdelay $0x3  }
0x37: {  	[smem:$0x3FB9] =	sst s10  }
0x38: {  	s10 =	sld [smem:$0x3FBA]  }
0x39: {  	_ = 	snop;
	(pc) =	sbr.ind lr, $3  }
0x3a: {  	_ = 	snop  }
0x3b: {  	_ = 	snop  }
0x3c: {  	p2 =	seq.s32 s10, $0x1;
	s10 =	sld [smem:$0x3FB9]  }
0x3d: {  	_ =	shalt  }
0x3e: {  	_ =	shalt  }
0x3f: {  	_ =	shalt  }
0x40: {  	_ =	shalt  }
0x41: {  	_ =	shalt  }
0x42: {  	_ =	shalt  }
0x43: {  	_ =	shalt  }
0x44: {  	_ =	shalt  }
0x45: {  	_ =	shalt  }
0x46: {  	_ =	shalt  }
0x47: {  	_ =	shalt  }
0x48: {  	_ =	shalt  }
0x49: {  	_ =	shalt  }
0x4a: {  	_ =	shalt  }
0x4b: {  	_ =	shalt  }
0x4c: {  	_ =	shalt  }
0x4d: {  	_ =	shalt  }
0x4e: {  	_ =	shalt  }
0x4f: {  	_ =	shalt  }
0x50: {  	_ =	shalt  }
0x51: {  	_ =	shalt  }
0x52: {  	_ =	shalt  }
0x53: {  	_ =	shalt  }
0x54: {  	_ =	shalt  }
0x55: {  	_ =	shalt  }
0x56: {  	_ =	shalt  }
0x57: {  	_ =	shalt  }
0x58: {  	_ =	shalt  }
0x59: {  	_ =	shalt  }
0x5a: {  	_ =	shalt  }
0x5b: {  	_ =	shalt  }
0x5c: {  	_ =	shalt  }
0x5d: {  	_ =	shalt  }
0x5e: {  	_ =	shalt  }
0x5f: {  	_ =	shalt  }
0x60: {  	_ =	shalt  }
0x61: {  	_ =	shalt  }
0x62: {  	_ =	shalt  }
0x63: {  	_ =	shalt  }
0x64: {  	_ =	shalt  }
0x65: {  	_ =	shalt  }
0x66: {  	_ =	shalt  }
0x67: {  	_ =	shalt  }
0x68: {  	_ =	shalt  }
0x69: {  	_ =	shalt  }
0x6a: {  	_ =	shalt  }
0x6b: {  	_ =	shalt  }
0x6c: {  	_ =	shalt  }
0x6d: {  	_ =	shalt  }
0x6e: {  	_ =	shalt  }
0x6f: {  	_ =	shalt  }
0x70: {  	_ =	shalt  }
0x71: {  	_ =	shalt  }
0x72: {  	_ =	shalt  }
0x73: {  	_ =	shalt  }
0x74: {  	_ =	shalt  }
0x75: {  	_ =	shalt  }
0x76: {  	_ =	shalt  }
0x77: {  	_ =	shalt  }
0x78: {  	_ =	shalt  }
0x79: {  	_ =	shalt  }
0x7a: {  	_ =	shalt  }
0x7b: {  	_ =	shalt  }
0x7c: {  	_ =	shalt  }
0x7d: {  	_ =	shalt  }
0x7e: {  	_ =	shalt  }
0x7f: {  	_ =	shalt  }
0x80: {  	_ =	shalt  }
0x81: {  	_ =	shalt  }
0x82: {  	_ =	shalt  }
0x83: {  	_ =	shalt  }
0x84: {  	_ =	shalt  }
0x85: {  	_ =	shalt  }
0x86: {  	_ =	shalt  }
0x87: {  	_ =	shalt  }
.Lfunc_end0:
.L_simem_size_0:
called_computation.1_lowered:
.L_overlay_start_0:
0x88: {  	s2 =	sld [smem:$0x3FD9]  }
0x89: {  	s3 =	sld [smem:$0x3FFE];
	_ =	sdelay $0x1  }
0x8a: {  	s1 =	srdreg.scid  }
0x8b: {  	s0 =	sand.u32 $0x1, s1  }
0x8c: {  	s17 =	sshll.u32 s0, $0xA;
	s2 =	sadd.s32 s3, s2  }
0x8d: {  	s2 =	sadd.s32 s2, s17  }
0x8e: {  	[smem:$0x3FC5] =	sst s2  }
0x8f: {  	_ = 	snop  }
0x90: {  	s2 =	sld [smem:$0x3FD0];
	(tm) =	ssettm $0x1  }
0x91: {  	s18 =	sld [smem:$0x3FFB];
	_ =	sdelay $0x3  }
0x92: {  	_ =	strace s18  }
0x93: {  	s3 =	sld [smem:$0x3FFC];
	_ =	sdelay $0x3  }
0x94: {  	_ =	strace s3  }
0x95: {  	s3 =	sld [smem:$0x3FFD];
	_ =	sdelay $0x3  }
0x96: {  	_ =	strace s3  }
0x97: {  	_ =	strace $0x8FFFFFFF  }
0x98: {  	s19 =	sld [smem:$0x3FDB];
	_ =	sdelay $0x1  }
0x99: {  	s4 =	simm.s32 $_scs_section_size  }
0x9a: {  	s5 =	simm.s32 $_size__tile_overlayer_lowered;
	s6 =	simm.s32 $_tile_overlayer_lowered  }
0x9b: {  	s22 =	simm.s32 $0x1BFF;
	s21 =	sshll.u32 s6, $0x1;
	s3 =	sadd.s32 s4, s19  }
0x9c: {  	s7 =	simm.s32 $0x0;
	s20 =	sshll.u32 s5, $0x1;
	s5 =	sadd.s32 s21, s3  }
0x9d: {  	[timem:s7], [sflag:s22] =	dma.local [hbm:s5], s20  }
0x9e: {  	_ =	swait.ge [sflag:s22], s20  }
0x9f: {  	s4 =	ssub.s32 $0x0, s20;
	[sflag:s22] =	ssyncset.done $0x0  }
0xa0: {  	[sflag:s22] =	ssyncadd.s32 s4;
	_ =	sdelay $0x1  }
0xa1: {  	s23 =	simm.s32 $0x1B8B  }
0xa2: {  	_ =	swait.ge [sflag:s23], $0x1  }
0xa3: {  	[sflag:s23] =	ssyncset.done $0x0  }
0xa4: {  	s25 =	simm.s32 $0x1B8E;
	s24 =	sld [smem:$0x3FFE];
	[sflag:s23] =	ssyncadd.s32 $0xFFFFFFFF  }
0xa5: {  	s26 =	simm.s32 $execute0_lowered;
	[smem:$0x3FD2] =	sst s25  }
0xa6: {  	s5 =	sshll.u32 s26, $0x1;
	_ =	strace $0x80000046;
	[dreg:$0x1] =	wrdreg $0xFFFFFFFF  }
0xa7: {  	s28 =	simm.s32 $_size_execute0_lowered;
	s3 =	sadd.s32 s3, s5;
	[dreg:$0x0] =	wrdreg $0x0  }
0xa8: {  	s5 =	sshll.u32 s28, $0x1;
	[dreg:$0x2] =	wrdreg s3  }
0xa9: {  	[dreg:$0x3] =	wrdreg s5  }
0xaa: {  	[dreg:$0x4] =	wrdreg $0xC0  }
0xab: {  	_ =	task [dreg:s7], $0x5FFFF  }
0xac: {  	[dreg:$0x1] =	wrdreg $0xFFFFFFFF  }
0xad: {  	[dreg:$0x0] =	wrdreg $0x60  }
0xae: {  	[dreg:$0x2] =	wrdreg s24  }
0xaf: {  	[dreg:$0x3] =	wrdreg s2  }
0xb0: {  	[dreg:$0x4] =	wrdreg $0x10A000  }
0xb1: {  	[dreg:$0x5] =	wrdreg $0x9  }
0xb2: {  	_ =	task.clear_ibuf [dreg:s7], $0x6FFFF;
	_ =	strace $0x90000046  }
0xb3: {  	s29 =	simm.s32 $0x9;
	_ =	strace $0x80000048  }
0xb4: {  	_ =	swait.ge [sflag:s29], $0x1  }
0xb5: {  	[sflag:s29] =	ssyncadd.s32 $0xFFFFFFFF  }
0xb6: {  	_ =	strace $0x90000048  }
0xb7: {  	_ =	sfence  }
0xb8: {  	s30 =	sld [smem:$0x0];
	_ =	sdelay $0x2  }
0xb9: {  	s31 =	sshll.u32 s1, $0xD;
	s1 =	sshrl.u32 s1, $0x2  }
0xba: {  	s3 =	sand.u32 $0x4000, s31;
	s1 =	sadd.s32 s1, s30  }
0xbb: {  	s0 =	sor.u32 s3, s0;
	s1 =	sshll.u32 s1, $0x11  }
0xbc: {  	s0 =	sor.u32 s1, s0  }
0xbd: {  	s0 =	sadd.s32 $0x8F2B, s0  }
0xbe: {  	[sflag:s0] =	ssyncadd.remote.s32 $0x1  }
0xbf: {  	_ =	sfence.sel $0xFFFF  }
0xc0: {  	[dreg:$0x0] =	wrdreg $0xFFFFFFFF;
	(pc) =	sbr.abs _section_cstart, $3  }
0xc1: {  	[dreg:$0x1] =	wrdreg $0xFFFFFFFF  }
0xc2: {  	_ =	task.clear_ibuf [dreg:s7], $0x2FFFF;
	_ =	strace $0x9FFFFFFF  }
0xc3: {  	(tm) =	ssettm $0x7FFFFFFF  }
tec
execute0_lowered:
.L_overlay_start_1:
0x0: {  	(tag) =	ssettag $0x1  }
0x1: {  	s0 =	rddreg [dreg:$0x0];
	s1 =	srdreg.scid  }
0x2: {  	s17 =	stileid.u32;
	s2 =	rddreg [dreg:$0x1]  }
0x3: {  	s4 =	rddreg [dreg:$0x2];
	s5 =	simm.s32 $0x0;
	s15 =	simm.s32 $0x9  }
0x4: {  	s16 =	simm.s32 $0xA00;
	s18 =	simm.s32 $0x1;
	s28 =	simm.s32 $0x4  }
0x5: {  	s29 =	simm.s32 $0x5;
	s30 =	simm.s32 $0x6;
	s31 =	simm.s32 $0x7  }
0x6: {  	s1 =	sand.u32 $0x1, s1;
	s3 =	sshll.u32 s17, $0x1;
	s8 =	smul.u32 $0x280000, s17  }
0x7: {  	[smem:$0x7FF] =	sst s5;
	s22 =	sshll.u32 s17, $0xF;
	s9 =	smul.u32 $0x1400, s17  }
0x8: {  	s17 =	sshll.u32 s17, $0x6;
	s3 =	sor.u32 s1, s3;
	s23 =	smul.u32 $0x140000, s1  }
0x9: {  	_ =	strace $0x80000047;
	s7 =	ssub.s32 $0x2, s1;
	s1 =	smul.u32 $0xA00, s1  }
0xa: {  	s4 =	sadd.s32 s22, s4;
	s19 =	sor.u32 $0x1C05, s17;
	s6 =	smul.u32 $0xA00, s3  }
0xb: {  	s22 =	simm.s32 $0x2;
	s21 =	sshrl.u32 s7, $0x1;
	s3 =	smul.u32 $0x140000, s3  }
0xc: {  	s5 =	sadd.s32 $0x4000, s4;
	s7 =	ssub.s32 s7, s21;
	s1 =	sadd.s32 s1, s9  }
0xd: {  	s21 =	simm.s32 $0x4A00;
	s20 =	sshrl.u32 s6, $0x3;
	s6 =	sshll.u32 s6, $0x6  }
0xe: {  	s7 =	smax.u32 s7, $0x1;
	s3 =	sshrl.u32 s3, $0x3;
	s1 =	sshll.u32 s1, $0x6  }
0xf: {  	s0 =	sadd.s32 s20, s0;
	[dreg:$0x5] =	wrdreg s7;
	s3 =	sadd.s32 s2, s3  }
0x10: {  	s24 =	sadd.s32 s6, s2;
	s26 =	sadd.s32 s1, s2;
	s20 =	sshrl.u32 s4, $0x3  }
0x11: {  	s1 =	simm.s32 $0x8;
	s0 =	sadd.s32 $0x800, s0;
	[dreg:$0x6] =	wrdreg s3  }
0x12: {  	s6 =	sadd.s32 $0x800, s24;
	s25 =	sadd.s32 $0x1000, s24;
	s10 =	sadd.s32 $0x1800, s24  }
0x13: {  	s12 =	sadd.s32 $0x3800, s26;
	s13 =	sadd.s32 $0x3000, s26;
	s14 =	sadd.s32 $0x2800, s26  }
0x14: {  	s24 =	simm.s32 $0x8A00;
	[dreg:$0x4] =	wrdreg s0;
	s0 =	sadd.s32 s23, s8  }
0x15: {  	s26 =	simm.s32 $0xCA00;
	[dreg:$0x7] =	wrdreg s6;
	s0 =	sor.u32 $0x10000, s0  }
0x16: {  	[dreg:$0x8] =	wrdreg s25;
	s23 =	sor.u32 $0x1C06, s17;
	s0 =	sshrl.u32 s0, $0x3  }
0x17: {  	s25 =	simm.s32 $0x3;
	s11 =	sadd.s32 s0, s2;
	s0 =	simm.s32 $0x0  }
.LBB2_1:
0x18: {  	s2 =	simm.s32 $0x0;
	s3 =	rddreg [dreg:$0x4]  }
0x19: {  	[tilespmem:s2], [sflag:$0x9] =	stream.linear.gather [hbm4b:s3+s2], $0xA00, $0x38;
	[tilespmem:$0x18A00] =	vst v63  }
0x1a: {  	_ =	swait.ge [sflag:s15], $0xA00  }
0x1b: {  	[sflag:s15] =	ssyncset.done $0x0  }
0x1c: {  	[sflag:s15] =	ssyncadd.s32 $0xFFFFF600  }
0x1d: {  	[spmem:s4] =	stream.linear.scatter [tilespmem:s16], [sflag:$0x1], $0x4000, $0x38;
	[tilespmem:$0x18A00] =	vst v63  }
0x1e: {  	_ =	swait.ge [sflag:s18], $0x4000  }
0x1f: {  	[sflag:s18] =	ssyncset.done $0x0  }
0x20: {  	s6 =	rddreg [dreg:$0x6];
	[sflag:s18] =	ssyncadd.s32 $0xFFFFC000  }
0x21: {  	[hbm:s6], [sflag:s19] =	dma.local [spmem:s20], $0x800  }
0x22: {  	[spmem:s5] =	stream.linear.scatter [tilespmem:s21], [sflag:$0x2], $0x4000, $0x38;
	[tilespmem:$0x18A00] =	vst v63  }
0x23: {  	_ =	swait.ge [sflag:s22], $0x4000  }
0x24: {  	[sflag:s22] =	ssyncset.done $0x0  }
0x25: {  	s2 =	sshrl.u32 s5, $0x3;
	s7 =	rddreg [dreg:$0x7];
	[sflag:s22] =	ssyncadd.s32 $0xFFFFC000  }
0x26: {  	[hbm:s7], [sflag:s23] =	dma.local [spmem:s2], $0x800  }
0x27: {  	[spmem:s4] =	stream.linear.scatter [tilespmem:s24], [sflag:$0x3], $0x4000, $0x38;
	[tilespmem:$0x18A00] =	vst v63  }
0x28: {  	_ =	swait.ge [sflag:s25], $0x4000  }
0x29: {  	[sflag:s25] =	ssyncset.done $0x0  }
0x2a: {  	s3 =	sor.u32 $0x1C07, s17;
	s6 =	rddreg [dreg:$0x8];
	[sflag:s25] =	ssyncadd.s32 $0xFFFFC000  }
0x2b: {  	[hbm:s6], [sflag:s3] =	dma.local [spmem:s20], $0x800  }
0x2c: {  	[spmem:s5] =	stream.linear.scatter [tilespmem:s26], [sflag:$0x4], $0x4000, $0x38;
	[tilespmem:$0x18A00] =	vst v63  }
0x2d: {  	_ =	swait.ge [sflag:s28], $0x4000  }
0x2e: {  	[sflag:s28] =	ssyncset.done $0x0  }
0x2f: {  	s6 =	sor.u32 $0x1C08, s17;
	[sflag:s28] =	ssyncadd.s32 $0xFFFFC000  }
0x30: {  	[hbm:s10], [sflag:s6] =	dma.local [spmem:s2], $0x800  }
0x31: {  	_ =	swait.ge [sflag:s29], $0x800  }
0x32: {  	[sflag:s29] =	ssyncset.done $0x0  }
0x33: {  	[sflag:s29] =	ssyncadd.s32 $0xFFFFF800  }
0x34: {  	[spmem:s4] =	stream.linear.scatter [tilespmem:s16], [sflag:$0x1], $0x4000, $0x38;
	[tilespmem:$0x18A00] =	vst v63  }
0x35: {  	_ =	swait.ge [sflag:s18], $0x4000  }
0x36: {  	[sflag:s18] =	ssyncset.done $0x0  }
0x37: {  	s7 =	sadd.s32 $0x0, s11;
	[sflag:s18] =	ssyncadd.s32 $0xFFFFC000  }
0x38: {  	[hbm:s7], [sflag:s19] =	dma.local [spmem:s20], $0x800  }
0x39: {  	_ =	swait.ge [sflag:s30], $0x800  }
0x3a: {  	[sflag:s30] =	ssyncset.done $0x0  }
0x3b: {  	[sflag:s30] =	ssyncadd.s32 $0xFFFFF800  }
0x3c: {  	[spmem:s5] =	stream.linear.scatter [tilespmem:s21], [sflag:$0x2], $0x4000, $0x38;
	[tilespmem:$0x18A00] =	vst v63  }
0x3d: {  	_ =	swait.ge [sflag:s22], $0x4000  }
0x3e: {  	[sflag:s22] =	ssyncset.done $0x0  }
0x3f: {  	s8 =	sadd.s32 $0x0, s14;
	[sflag:s22] =	ssyncadd.s32 $0xFFFFC000  }
0x40: {  	[hbm:s8], [sflag:s23] =	dma.local [spmem:s2], $0x800  }
0x41: {  	_ =	swait.ge [sflag:s31], $0x800  }
0x42: {  	[sflag:s31] =	ssyncset.done $0x0  }
0x43: {  	[sflag:s31] =	ssyncadd.s32 $0xFFFFF800  }
0x44: {  	[spmem:s4] =	stream.linear.scatter [tilespmem:s24], [sflag:$0x3], $0x4000, $0x38;
	[tilespmem:$0x18A00] =	vst v63  }
0x45: {  	_ =	swait.ge [sflag:s25], $0x4000  }
0x46: {  	[sflag:s25] =	ssyncset.done $0x0  }
0x47: {  	s9 =	sadd.s32 $0x0, s13;
	[sflag:s25] =	ssyncadd.s32 $0xFFFFC000  }
0x48: {  	[hbm:s9], [sflag:s3] =	dma.local [spmem:s20], $0x800  }
0x49: {  	_ =	swait.ge [sflag:s1], $0x800  }
0x4a: {  	[sflag:s1] =	ssyncset.done $0x0  }
0x4b: {  	[sflag:s1] =	ssyncadd.s32 $0xFFFFF800  }
0x4c: {  	[spmem:s5] =	stream.linear.scatter [tilespmem:s26], [sflag:$0x4], $0x4000, $0x38;
	[tilespmem:$0x18A00] =	vst v63  }
0x4d: {  	_ =	swait.ge [sflag:s28], $0x4000  }
0x4e: {  	[sflag:s28] =	ssyncset.done $0x0  }
0x4f: {  	s7 =	simm.s32 $0x2000;
	s8 =	sadd.s32 $0x0, s12;
	[sflag:s28] =	ssyncadd.s32 $0xFFFFC000  }
.LBB2_2:
0x50: {  	[hbm:s8], [sflag:s6] =	dma.local [spmem:s2], $0x800  }
0x51: {  	s8 =	smov.u32 s7  }
0x52: {  	p0 =	sne.s32 s7, $0x24000;
	s7 =	sadd.s32 $0x2000, s7;
	_ =	swait.ge [sflag:s29], $0x800  }
0x53: {  	[sflag:s29] =	ssyncset.done $0x0  }
0x54: {  	[sflag:s29] =	ssyncadd.s32 $0xFFFFF800  }
0x55: {  	[spmem:s4] =	stream.linear.scatter [tilespmem:s16], [sflag:$0x1], $0x4000, $0x38;
	[tilespmem:$0x18A00] =	vst v63  }
0x56: {  	_ =	swait.ge [sflag:s18], $0x4000  }
0x57: {  	[sflag:s18] =	ssyncset.done $0x0  }
0x58: {  	s9 =	sadd.s32 s8, s11;
	[sflag:s18] =	ssyncadd.s32 $0xFFFFC000  }
0x59: {  	[hbm:s9], [sflag:s19] =	dma.local [spmem:s20], $0x800  }
0x5a: {  	_ =	swait.ge [sflag:s30], $0x800  }
0x5b: {  	[sflag:s30] =	ssyncset.done $0x0  }
0x5c: {  	[sflag:s30] =	ssyncadd.s32 $0xFFFFF800  }
0x5d: {  	[spmem:s5] =	stream.linear.scatter [tilespmem:s21], [sflag:$0x2], $0x4000, $0x38;
	[tilespmem:$0x18A00] =	vst v63  }
0x5e: {  	_ =	swait.ge [sflag:s22], $0x4000  }
0x5f: {  	[sflag:s22] =	ssyncset.done $0x0  }
0x60: {  	s9 =	sadd.s32 s8, s14;
	[sflag:s22] =	ssyncadd.s32 $0xFFFFC000  }
0x61: {  	[hbm:s9], [sflag:s23] =	dma.local [spmem:s2], $0x800  }
0x62: {  	_ =	swait.ge [sflag:s31], $0x800  }
0x63: {  	[sflag:s31] =	ssyncset.done $0x0  }
0x64: {  	[sflag:s31] =	ssyncadd.s32 $0xFFFFF800  }
0x65: {  	[spmem:s4] =	stream.linear.scatter [tilespmem:s24], [sflag:$0x3], $0x4000, $0x38;
	[tilespmem:$0x18A00] =	vst v63  }
0x66: {  	_ =	swait.ge [sflag:s25], $0x4000  }
0x67: {  	[sflag:s25] =	ssyncset.done $0x0  }
0x68: {  	s9 =	sadd.s32 s8, s13;
	[sflag:s25] =	ssyncadd.s32 $0xFFFFC000  }
0x69: {  	[hbm:s9], [sflag:s3] =	dma.local [spmem:s20], $0x800  }
0x6a: {  	_ =	swait.ge [sflag:s1], $0x800  }
0x6b: {  	[sflag:s1] =	ssyncset.done $0x0  }
.Ltmp0:
0x6c: {  	[sflag:s1] =	ssyncadd.s32 $0xFFFFF800;
	(pc) =	sbr.rel @p0 .LBB2_2-.Ltmp0, $4  }
0x6d: {  	[spmem:s5] =	stream.linear.scatter [tilespmem:s26], [sflag:$0x4], $0x4000, $0x38;
	[tilespmem:$0x18A00] =	vst v63  }
0x6e: {  	_ =	swait.ge [sflag:s28], $0x4000  }
0x6f: {  	[sflag:s28] =	ssyncset.done $0x0  }
0x70: {  	s8 =	sadd.s32 s8, s12;
	[sflag:s28] =	ssyncadd.s32 $0xFFFFC000  }
0x71: {  	[hbm:s8], [sflag:s6] =	dma.local [spmem:s2], $0x800  }
0x72: {  	_ =	swait.ge [sflag:s29], $0x800  }
0x73: {  	[sflag:s29] =	ssyncset.done $0x0  }
0x74: {  	[sflag:s29] =	ssyncadd.s32 $0xFFFFF800  }
0x75: {  	_ =	swait.ge [sflag:s30], $0x800  }
0x76: {  	[sflag:s30] =	ssyncset.done $0x0  }
0x77: {  	[sflag:s30] =	ssyncadd.s32 $0xFFFFF800  }
0x78: {  	_ =	swait.ge [sflag:s31], $0x800  }
0x79: {  	[sflag:s31] =	ssyncset.done $0x0  }
0x7a: {  	[sflag:s31] =	ssyncadd.s32 $0xFFFFF800  }
0x7b: {  	_ =	swait.ge [sflag:s1], $0x800  }
0x7c: {  	s0 =	sadd.s32 $0x1, s0;
	s9 =	rddreg [dreg:$0x5]  }
0x7d: {  	p0 =	sne.s32 s0, s9  }
.Ltmp1:
0x7e: {  	_ = 	snop;
	(pc) =	sbr.rel @p0 .LBB2_1-.Ltmp1, $3  }
0x7f: {  	_ =	sdelay $0x1  }
0x80: {  	[sflag:s1] =	ssyncset.done $0x0  }
0x81: {  	[sflag:s1] =	ssyncadd.s32 $0xFFFFF800  }
0x82: {  	_ =	sfence.sel $0x180000  }
0x83: {  	[bflag:$0x0] =	sbarrier.arrive $0xFFFF  }
0x84: {  	_ =	strace $0x90000047  }
0x85: {  	s0 =	stileid.u32;
	[bflag:$0x2] =	sbarrier.arrive $0xFFFF  }
0x86: {  	p0 =	sne.s32 s0, $0x0;
	s0 =	rddreg [dreg:$0x3]  }
0x87: {  	s0 =	sadd.s32 @!p0 $0x100000, s0  }
0x88: {  	[sflag:s0] =	ssyncadd.tile.s32 @!p0 $0x1;
	_ =	shalt  }
.Lfunc_end2:
_tile_overlayer_lowered:
.L_overlay_start_2:
0x89: {  	(tag) =	ssettag $0x2  }
0x8a: {  	s0 =	rddreg [dreg:$0x0];
	s2 =	stileid.u32  }
0x8b: {  	s1 =	rddreg [dreg:$0x1];
	p0 =	sne.s32 s2, $0x0  }
0x8c: {  	s3 =	rddreg [dreg:$0x2];
	[bflag:$0x3] =	sbarrier.arrive $0xFFFF;
	s2 =	simm.s32 @!p0 $0x1C09  }
0x8d: {  	[timem:s3], [sflag:s2] =	dma.local @!p0 [hbm:s0], s1  }
0x8e: {  	s0 =	simm.s32 @!p0 $0x9  }
0x8f: {  	_ =	swait.ge @!p0 [sflag:s0], s1  }
0x90: {  	s1 =	ssub.s32 @!p0 $0x0, s1;
	[sflag:s0] =	ssyncset.done @!p0 $0x0  }
0x91: {  	[sflag:s0] =	ssyncadd.s32 @!p0 s1  }
0x92: {  	[bflag:$0x3] =	sbarrier.arrive $0xFFFF  }
0x93: {  	_ =	shalt  }

// kernel: sparse-core-data-format-call.cloned.1.call-start
scs
called_computation_lowered:
.L_overlay_start_0:
0x0: {  	s2 =	sld [smem:$0x3FD9]  }
0x1: {  	s3 =	sld [smem:$0x3FFE];
	_ =	sdelay $0x1  }
0x2: {  	s1 =	srdreg.scid  }
0x3: {  	s0 =	sand.u32 $0x1, s1  }
0x4: {  	s18 =	sshll.u32 s0, $0xA;
	s2 =	sadd.s32 s3, s2  }
0x5: {  	s2 =	sadd.s32 s2, s18  }
0x6: {  	[smem:$0x3FC5] =	sst s2  }
0x7: {  	_ = 	snop  }
0x8: {  	s2 =	sld [smem:$0x3FD0];
	(tm) =	ssettm $0x1  }
0x9: {  	s19 =	sld [smem:$0x3FFB];
	_ =	sdelay $0x3  }
0xa: {  	_ =	strace s19  }
0xb: {  	s3 =	sld [smem:$0x3FFC];
	_ =	sdelay $0x3  }
0xc: {  	_ =	strace s3  }
0xd: {  	s3 =	sld [smem:$0x3FFD];
	_ =	sdelay $0x3  }
0xe: {  	_ =	strace s3  }
0xf: {  	_ =	strace $0x8FFFFFFF  }
0x10: {  	s20 =	sld [smem:$0x3FDB];
	_ =	sdelay $0x1  }
0x11: {  	s4 =	simm.s32 $_scs_section_size  }
0x12: {  	s5 =	simm.s32 $_size__tile_overlayer_lowered;
	s6 =	simm.s32 $_tile_overlayer_lowered  }
0x13: {  	s23 =	simm.s32 $0x1BFF;
	s22 =	sshll.u32 s6, $0x1;
	s3 =	sadd.s32 s4, s20  }
0x14: {  	s7 =	simm.s32 $0x0;
	s21 =	sshll.u32 s5, $0x1;
	s5 =	sadd.s32 s22, s3  }
0x15: {  	[timem:s7], [sflag:s23] =	dma.local [hbm:s5], s21  }
0x16: {  	_ =	swait.ge [sflag:s23], s21  }
0x17: {  	s4 =	ssub.s32 $0x0, s21;
	[sflag:s23] =	ssyncset.done $0x0  }
0x18: {  	[sflag:s23] =	ssyncadd.s32 s4;
	_ =	sdelay $0x1  }
0x19: {  	s24 =	simm.s32 $0x1B8B  }
0x1a: {  	_ =	swait.ge [sflag:s24], $0x1  }
0x1b: {  	[sflag:s24] =	ssyncset.done $0x0  }
0x1c: {  	s26 =	simm.s32 $0x1B8E;
	s25 =	sld [smem:$0x3FFE];
	[sflag:s24] =	ssyncadd.s32 $0xFFFFFFFF  }
0x1d: {  	s27 =	simm.s32 $execute0_lowered;
	[smem:$0x3FD2] =	sst s26  }
0x1e: {  	s5 =	sshll.u32 s27, $0x1;
	_ =	strace $0x80000049;
	[dreg:$0x1] =	wrdreg $0xFFFFFFFF  }
0x1f: {  	s28 =	simm.s32 $_size_execute0_lowered;
	s3 =	sadd.s32 s3, s5;
	[dreg:$0x0] =	wrdreg $0x0  }
0x20: {  	s5 =	sshll.u32 s28, $0x1;
	[dreg:$0x2] =	wrdreg s3  }
0x21: {  	[dreg:$0x3] =	wrdreg s5  }
0x22: {  	[dreg:$0x4] =	wrdreg $0xC0  }
0x23: {  	_ =	task [dreg:s7], $0x5FFFF  }
0x24: {  	[dreg:$0x1] =	wrdreg $0xFFFFFFFF  }
0x25: {  	[dreg:$0x0] =	wrdreg $0x60  }
0x26: {  	[dreg:$0x2] =	wrdreg s25  }
0x27: {  	[dreg:$0x3] =	wrdreg s2  }
0x28: {  	[dreg:$0x4] =	wrdreg $0x9  }
0x29: {  	_ =	task.clear_ibuf [dreg:s7], $0x5FFFF;
	_ =	strace $0x90000049  }
0x2a: {  	s29 =	simm.s32 $0x9;
	_ =	strace $0x8000004B  }
0x2b: {  	_ =	swait.ge [sflag:s29], $0x1  }
0x2c: {  	[sflag:s29] =	ssyncadd.s32 $0xFFFFFFFF  }
0x2d: {  	_ =	strace $0x9000004B  }
0x2e: {  	_ =	sfence  }
0x2f: {  	s30 =	sld [smem:$0x0];
	_ =	sdelay $0x2  }
0x30: {  	s31 =	sshll.u32 s1, $0xD;
	s1 =	sshrl.u32 s1, $0x2  }
0x31: {  	s3 =	sand.u32 $0x4000, s31;
	s1 =	sadd.s32 s1, s30  }
0x32: {  	s0 =	sor.u32 s3, s0;
	s1 =	sshll.u32 s1, $0x11  }
0x33: {  	s0 =	sor.u32 s1, s0  }
0x34: {  	s0 =	sadd.s32 $0x8F2B, s0  }
0x35: {  	[sflag:s0] =	ssyncadd.remote.s32 $0x1  }
0x36: {  	_ =	sfence.sel $0xFFFF  }
0x37: {  	[dreg:$0x0] =	wrdreg $0xFFFFFFFF;
	(pc) =	sbr.abs _section_cstart, $3  }
0x38: {  	[dreg:$0x1] =	wrdreg $0xFFFFFFFF  }
0x39: {  	_ =	task.clear_ibuf [dreg:s7], $0x2FFFF;
	_ =	strace $0x9FFFFFFF  }
0x3a: {  	(tm) =	ssettm $0x7FFFFFFF  }
0x3b: {  	_ =	shalt  }
tec
execute0_lowered:
.L_overlay_start_1:
0x0: {  	(tag) =	ssettag $0x1  }
0x1: {  	s0 =	srdreg.scid  }
0x2: {  	s1 =	sshll.u32 s0, $0x4  }
0x3: {  	s6 =	rddreg [dreg:$0x0];
	s0 =	stileid.u32;
	s1 =	sand.u32 $0x10, s1  }
0x4: {  	s3 =	rddreg [dreg:$0x1];
	s1 =	sor.u32 s0, s1  }
0x5: {  	s5 =	simm.s32 $0x1;
	s31 =	simm.s32 $0x2;
	s2 =	sshll.u32 s1, $0x7  }
0x6: {  	s14 =	simm.s32 $0x0;
	s8 =	simm.s32 $0x1000;
	s4 =	ssub.s32 $0x1000, s2  }
0x7: {  	s9 =	simm.s32 $0x0;
	s15 =	simm.s32 $0x0;
	s30 =	sand.u32 $0xF80, s4  }
0x8: {  	s16 =	simm.s32 $0x0;
	s10 =	simm.s32 $0x0;
	p0 =	sne.s32 s30, $0x0  }
.Ltmp0:
0x9: {  	s7 =	sshrl.u32 s4, $0xC;
	s5 =	simm.s32 @!p0 $0x0;
	(pc) =	sbr.rel .LBB1_1-.Ltmp0, $4  }
0xa: {  	s11 =	simm.s32 $0x0;
	s1 =	rddreg [dreg:$0x2];
	s5 =	sadd.s32 s5, s7  }
0xb: {  	_ =	strace $0x8000004A;
	s4 =	simm.s32 $0x1;
	s5 =	smul.u32 $0x50, s5  }
0xc: {  	s13 =	simm.s32 $0x0;
	s6 =	sadd.s32 $0x800, s6;
	[sflag:s4] =	ssyncpa.u1 $0x0  }
0xd: {  	s12 =	smov.u32 s2;
	[sflag:s31] =	ssyncpa.u1 $0x0;
	s7 =	sor.u32 $0x1, s5  }
.LBB1_4:
0xe: {  	_ =	sdelay $0x3  }
0xf: {  	[tilespmem:v0+s19+$0xFFFFFFD0 ss:$0x1] =	vst.idx.msk $0xffff, v6  }
0x10: {  	v56 =	vld.idx.msk [tilespmem:v1+s18+$0x0 ss:$0x1], $0xffff;
	[tilespmem:v0+s19+$0xFFFFFFE0 ss:$0x1] =	vst.idx.msk $0xffff, v4  }
0x11: {  	v57 =	vld.idx.msk [tilespmem:v1+s18+$0xFFFFFF90 ss:$0x1], $0xffff;
	[tilespmem:v0+s19+$0xFFFFFFF0 ss:$0x1] =	vst.idx.msk $0xffff, v2  }
0x12: {  	v58 =	vld.idx.msk [tilespmem:v1+s18+$0xFFFFFFA0 ss:$0x1], $0xffff;
	[tilespmem:v0+s19+$0x0 ss:$0x1] =	vst.idx.msk $0xffff, v3  }
0x13: {  	v59 =	vld.idx.msk [tilespmem:v1+s18+$0xFFFFFFB0 ss:$0x1], $0xffff;
	[tilespmem:v0+s19+$0x10 ss:$0x1] =	vst.idx.msk $0xffff, v5  }
0x14: {  	v60 =	vld.idx.msk [tilespmem:v1+s18+$0xFFFFFFC0 ss:$0x1], $0xffff;
	[tilespmem:v0+s19+$0x20 ss:$0x1] =	vst.idx.msk $0xffff, v7  }
0x15: {  	v61 =	vld.idx.msk [tilespmem:v1+s18+$0xFFFFFFD0 ss:$0x1], $0xffff;
	s27 =	sshll.u32 s16, $0x9;
	[tilespmem:v0+s18+$0x30 ss:$0x1] =	vst.idx.msk $0xffff, v56  }
0x16: {  	s20 =	sshll.u32 s14, $0x3;
	v62 =	vld.idx.msk [tilespmem:v1+s18+$0xFFFFFFE0 ss:$0x1], $0xffff;
	s28 =	sshll.u32 s16, $0x7;
	s30 =	sand.u32 $0x78, s14;
	[tilespmem:v0+s18+$0xFFFFFFC0 ss:$0x1] =	vst.idx.msk $0xffff, v57  }
0x17: {  	v63 =	vld.idx.msk [tilespmem:v1+s18+$0xFFFFFFF0 ss:$0x1], $0xffff;
	s15 =	sshll.u32 s15, $0x12;
	s19 =	sand.u32 $0x1FF000, s27;
	s20 =	sand.u32 $0x1FFC00, s20;
	[tilespmem:v0+s18+$0xFFFFFFD0 ss:$0x1] =	vst.idx.msk $0xffff, v58  }
0x18: {  	s29 =	sand.u32 $0x200, s28;
	s16 =	sand.u32 $0x180, s28;
	s19 =	sadd.s32 s19, s20;
	[tilespmem:v0+s18+$0xFFFFFFE0 ss:$0x1] =	vst.idx.msk $0xffff, v59  }
0x19: {  	s31 =	sand.u32 $0x7, s14;
	s16 =	sor.u32 s16, s30;
	s19 =	sor.u32 s29, s19;
	[tilespmem:v0+s18+$0xFFFFFFF0 ss:$0x1] =	vst.idx.msk $0xffff, v60  }
0x1a: {  	s15 =	sadd.s32 s3, s15;
	s16 =	sshrl.u32 s16, $0x3;
	s19 =	sshrl.u32 s19, $0x3;
	[tilespmem:v0+s18+$0x0 ss:$0x1] =	vst.idx.msk $0xffff, v61  }
0x1b: {  	s14 =	sshll.u32 s31, $0x12;
	s15 =	sadd.s32 s16, s15;
	[tilespmem:v0+s18+$0x10 ss:$0x1] =	vst.idx.msk $0xffff, v62;
	s19 =	sand.u32 $0x3FFC0, s19  }
0x1c: {  	s14 =	sor.u32 $0x400, s14;
	[tilespmem:v0+s18+$0x20 ss:$0x1] =	vst.idx.msk $0xffff, v63;
	s15 =	sadd.s32 s19, s15  }
0x1d: {  	[hbm4b:s15+s14] =	stream.strided.scatter [tilespmem:s17], [sflag:$0x2], $0x4000, s8, s14, $0x38;
	[tilespmem:$0x10000] =	vst v63  }
.LBB1_5:
0x1e: {  	s17 =	sadd.s32 $0x80, s10  }
0x1f: {  	s14 =	simm.s32 $0x1;
	p1 =	sgt.s32 s17, $0x1FF  }
0x20: {  	s14 =	simm.s32 @!p1 $0x0  }
0x21: {  	s18 =	sadd.s32 s14, s11  }
0x22: {  	s20 =	smov.u32 s12;
	s14 =	sadd.s32 $0x1000, s12;
	p2 =	sgt.s32 s18, $0x13  }
0x23: {  	s20 =	smov.u32 @p2 s14  }
0x24: {  	p0 =	slt.u32 s13, $0x2;
	s17 =	simm.s32 @p1 $0x0;
	p1 =	sgt.s32 s20, $0xFFF  }
0x25: {  	s19 =	simm.s32 @!p0 $0x2;
	s20 =	smov.u32 @p1 s2;
	p1 =	sne.s32 s13, s7  }
.Ltmp1:
0x26: {  	_ =	swait.ge @!p0 [sflag:s19], $0x4000;
	(pc) =	sbr.rel @!p1 .LBB1_6-.Ltmp1, $4  }
0x27: {  	s15 =	smov.u32 s11;
	[sflag:s19] =	ssyncset.done @!p0 $0x0  }
0x28: {  	s16 =	smov.u32 s12;
	s9 =	sadd.s32 $0x4000, s9;
	[sflag:s19] =	ssyncadd.s32 @!p0 $0xFFFFC000  }
0x29: {  	s18 =	simm.s32 @p2 $0x0;
	s14 =	smov.u32 s10;
	s10 =	smov.u32 s17  }
0x2a: {  	s11 =	smov.u32 s18;
	s13 =	sadd.s32 $0x1, s13;
	s12 =	smov.u32 s20  }
.LBB1_1:
0x2b: {  	p0 =	sge.u32 s13, s5  }
0x2c: {  	s17 =	sshll.u32 @!p0 s11, $0x9;
	s18 =	sshll.u32 @!p0 s10, $0x3  }
0x2d: {  	s19 =	sshll.u32 @!p0 s11, $0x7;
	s17 =	sand.u32 @!p0 $0xFFFFF000, s17;
	s18 =	sand.u32 @!p0 $0xFFFFFC00, s18  }
0x2e: {  	s17 =	sadd.s32 @!p0 s17, s18;
	s18 =	sand.u32 @!p0 $0x200, s19  }
0x2f: {  	s17 =	sor.u32 @!p0 s18, s17  }
0x30: {  	s17 =	sshrl.u32 @!p0 s17, $0x9  }
0x31: {  	s31 =	sadd.s32 $0xFFFFFFFF, s13;
	s18 =	smulhi.u32 @!p0 $0xAAAAAAB, s17  }
0x32: {  	s20 =	sxor.u32 @!p0 $0xFFFFFFFF, s13;
	s21 =	sand.u32 @!p0 $0x78, s10;
	s22 =	smul.u32 @!p0 $0x600, s12  }
0x33: {  	s20 =	sshll.u32 @!p0 s20, $0xE;
	s19 =	sand.u32 @!p0 $0x180, s19;
	s18 =	smul.u32 @!p0 $0x18, s18  }
0x34: {  	s20 =	sand.u32 @!p0 $0x4000, s20;
	s19 =	sor.u32 @!p0 s21, s19;
	s21 =	sand.u32 @!p0 $0x7, s10  }
0x35: {  	s17 =	ssub.s32 @!p0 s17, s18;
	s18 =	sshrl.u32 @!p0 s19, $0x3;
	s19 =	sadd.s32 @!p0 s6, s22  }
0x36: {  	s17 =	sshll.u32 @!p0 s17, $0x6;
	s18 =	sadd.s32 @!p0 s18, s19;
	s19 =	sshll.u32 @!p0 s21, $0x12  }
0x37: {  	s17 =	sadd.s32 @!p0 s17, s18;
	s18 =	sor.u32 @!p0 $0x80, s19;
	s19 =	simm.s32 @!p0 $0x3000  }
0x38: {  	[tilespmem:s20], [sflag:$0x1] =	stream.strided.gather @!p0 [hbm4b:s17+s18], $0x4000, s19, s18, $0x38;
	[tilespmem:$0x10000] =	vst v63  }
0x39: {  	p0 =	sge.u32 s31, s5  }
.Ltmp2:
0x3a: {  	_ = 	snop;
	(pc) =	sbr.rel @p0 .LBB1_5-.Ltmp2, $1  }
0x3b: {  	_ =	sdelay $0x3  }
0x3c: {  	s17 =	sand.u32 $0x4000, s9  }
0x3d: {  	s18 =	sor.u32 $0x70, s17  }
0x3e: {  	v1 =	vmov s18;
	_ =	sdelay $0x1  }
0x3f: {  	_ =	swait.ge [sflag:s4], $0x4000  }
0x40: {  	[sflag:s4] =	ssyncset.done $0x0  }
0x41: {  	s19 =	simm.s32 $0x0;
	[sflag:s4] =	ssyncadd.s32 $0xFFFFC000  }
0x42: {  	s17 =	sor.u32 $0x8040, s17;
	v7 =	vld.idx.msk [tilespmem:v1+s19+$0x0 ss:$0x1], $0xffff  }
0x43: {  	v0 =	vmov s17;
	v8 =	vld.idx.msk [tilespmem:v1+s19+$0xFFFFFF90 ss:$0x1], $0xffff  }
0x44: {  	v6 =	vld.idx.msk [tilespmem:v1+s19+$0xFFFFFFA0 ss:$0x1], $0xffff  }
0x45: {  	v4 =	vld.idx.msk [tilespmem:v1+s19+$0xFFFFFFB0 ss:$0x1], $0xffff  }
0x46: {  	v2 =	vld.idx.msk [tilespmem:v1+s19+$0xFFFFFFC0 ss:$0x1], $0xffff  }
0x47: {  	s31 =	sshll.u32 s13, $0xE;
	v3 =	vld.idx.msk [tilespmem:v1+s19+$0xFFFFFFD0 ss:$0x1], $0xffff  }
0x48: {  	s17 =	sand.u32 $0x4000, s31;
	v5 =	vld.idx.msk [tilespmem:v1+s19+$0xFFFFFFE0 ss:$0x1], $0xffff;
	[tilespmem:v0+s19+$0x30 ss:$0x1] =	vst.idx.msk $0xffff, v7  }
0x49: {  	s20 =	simm.s32 $0x400;
	s18 =	simm.s32 $0x80;
	s17 =	sor.u32 $0x8000, s17;
	[tilespmem:v0+s19+$0xFFFFFFC0 ss:$0x1] =	vst.idx.msk $0xffff, v8;
	v7 =	vld.idx.msk [tilespmem:v1+s19+$0xFFFFFFF0 ss:$0x1], $0xffff  }
.LBB1_3:
0x4a: {  	p0 =	sne.s32 s20, $0xFE00;
	v8 =	vld.idx.msk [tilespmem:v1+s18+$0x0 ss:$0x1], $0xffff;
	[tilespmem:v0+s19+$0xFFFFFFD0 ss:$0x1] =	vst.idx.msk $0xffff, v6  }
0x4b: {  	v9 =	vld.idx.msk [tilespmem:v1+s18+$0xFFFFFF90 ss:$0x1], $0xffff;
	[tilespmem:v0+s19+$0xFFFFFFE0 ss:$0x1] =	vst.idx.msk $0xffff, v4  }
0x4c: {  	v6 =	vld.idx.msk [tilespmem:v1+s18+$0xFFFFFFA0 ss:$0x1], $0xffff;
	[tilespmem:v0+s19+$0xFFFFFFF0 ss:$0x1] =	vst.idx.msk $0xffff, v2  }
.Ltmp3:
0x4d: {  	v4 =	vld.idx.msk [tilespmem:v1+s18+$0xFFFFFFB0 ss:$0x1], $0xffff;
	[tilespmem:v0+s19+$0x0 ss:$0x1] =	vst.idx.msk $0xffff, v3;
	(pc) =	sbr.rel @p0 .LBB1_3-.Ltmp3, $4  }
0x4e: {  	v2 =	vld.idx.msk [tilespmem:v1+s18+$0xFFFFFFC0 ss:$0x1], $0xffff;
	[tilespmem:v0+s19+$0x10 ss:$0x1] =	vst.idx.msk $0xffff, v5  }
0x4f: {  	v3 =	vld.idx.msk [tilespmem:v1+s18+$0xFFFFFFD0 ss:$0x1], $0xffff;
	[tilespmem:v0+s19+$0x20 ss:$0x1] =	vst.idx.msk $0xffff, v7;
	s19 =	smov.u32 s18  }
0x50: {  	v5 =	vld.idx.msk [tilespmem:v1+s19+$0xFFFFFFE0 ss:$0x1], $0xffff;
	[tilespmem:v0+s19+$0x30 ss:$0x1] =	vst.idx.msk $0xffff, v8  }
0x51: {  	s18 =	sshra.s32 s20, $0x2;
	s20 =	sadd.s32 $0x200, s20;
	[tilespmem:v0+s19+$0xFFFFFFC0 ss:$0x1] =	vst.idx.msk $0xffff, v9;
	v7 =	vld.idx.msk [tilespmem:v1+s19+$0xFFFFFFF0 ss:$0x1], $0xffff  }
.Ltmp4:
0x52: {  	_ = 	snop;
	(pc) =	sbr.rel .LBB1_4-.Ltmp4, $1  }
0x53: {  	_ =	sdelay $0x3  }
.LBB1_6:
0x54: {  	_ =	sfence.sel $0x180000  }
0x55: {  	s2 =	simm.s32 $0x1;
	[bflag:$0x0] =	sbarrier.arrive $0xFFFF  }
0x56: {  	s31 =	simm.s32 $0x2;
	[sflag:s2] =	ssyncpa.u1 $0x1  }
0x57: {  	[sflag:s31] =	ssyncpa.u1 $0x1  }
0x58: {  	p0 =	sne.s32 s0, $0x0;
	_ =	strace $0x9000004A  }
0x59: {  	s0 =	sadd.s32 @!p0 $0x100000, s1;
	[bflag:$0x2] =	sbarrier.arrive $0xFFFF  }
0x5a: {  	[sflag:s0] =	ssyncadd.tile.s32 @!p0 $0x1;
	_ =	shalt  }
.Lfunc_end1:
_tile_overlayer_lowered:
.L_overlay_start_2:
0x5b: {  	(tag) =	ssettag $0x2  }
0x5c: {  	s0 =	rddreg [dreg:$0x0];
	s2 =	stileid.u32  }
0x5d: {  	s1 =	rddreg [dreg:$0x1];
	p0 =	sne.s32 s2, $0x0  }
0x5e: {  	s3 =	rddreg [dreg:$0x2];
	[bflag:$0x3] =	sbarrier.arrive $0xFFFF;
	s2 =	simm.s32 @!p0 $0x1C01  }
0x5f: {  	[timem:s3], [sflag:s2] =	dma.local @!p0 [hbm:s0], s1  }
0x60: {  	s0 =	simm.s32 @!p0 $0x1  }
0x61: {  	_ =	swait.ge @!p0 [sflag:s0], s1  }
0x62: {  	s1 =	ssub.s32 @!p0 $0x0, s1;
	[sflag:s0] =	ssyncset.done @!p0 $0x0  }
0x63: {  	[sflag:s0] =	ssyncadd.s32 @!p0 s1  }
0x64: {  	[bflag:$0x3] =	sbarrier.arrive $0xFFFF  }
0x65: {  	_ =	shalt  }

</sc_bundles>
